<compile_context>
chip_gen: v7x
topology: tpu7x:2x2x1
jax: 0.10.2.dev20260603
libtpu: 0.0.44.dev20260713+nightly
codegen_flags: <defaults>
</compile_context>

<pallas_src>
import functools

import jax
import jax.numpy as jnp
from jax import lax
from jax.experimental import pallas as pl
from jax.experimental.pallas import tpu as pltpu
from jax.experimental.pallas import tpu_sc as plsc

_B = 16
_NQ = 5000
_NQP = 5120
_NC = 80
_K = 300
_KP = 384
_L = 16
_NCHUNK = _NQP // _L



def _dense_kernel(logits_t_ref, bits_out, labels_out, ustar_out, need_out):
    i = pl.program_id(0)
    x = logits_t_ref[0]
    p = 1.0 / (1.0 + jnp.exp(-x))
    s = jnp.max(p, axis=0)
    cls_iota = lax.broadcasted_iota(jnp.int32, (_NC, _NQ), 0)
    lab = jnp.min(jnp.where(p == s[None, :], cls_iota, _NC), axis=0)
    zpad = jnp.zeros((_NQP - _NQ,), jnp.int32)
    bits_out[pl.ds(i, 1), :] = jnp.concatenate(
        [lax.bitcast_convert_type(s, jnp.int32), zpad])[None]
    labels_out[pl.ds(i, 1), :] = jnp.concatenate([lab, zpad])[None]

    @pl.when(i == _B - 1)
    def _threshold():
        bits_all = bits_out[...]

        def bs_body(_, lohi):
            lo, hi = lohi
            mid = lo + ((hi - lo) >> 1)
            cnt = jnp.sum((bits_all > mid).astype(jnp.int32),
                          axis=1, keepdims=True)
            less = cnt < _K
            return jnp.where(less, lo, mid), jnp.where(less, mid, hi)

        lo0 = jnp.zeros((_B, 1), jnp.int32)
        hi0 = jnp.full((_B, 1), 1 << 30, jnp.int32)
        _, ustar = lax.fori_loop(0, 30, bs_body, (lo0, hi0))
        m = jnp.sum((bits_all > ustar).astype(jnp.int32),
                    axis=1, keepdims=True)
        need = _K - m
        ustar_out[...] = jnp.broadcast_to(ustar, (_B, 128))
        need_out[...] = jnp.broadcast_to(need, (_B, 128))


def _stage_a(logits_tp):
    return pl.pallas_call(
        _dense_kernel,
        grid=(_B,),
        in_specs=[pl.BlockSpec((1, _NC, _NQ), lambda i: (i, 0, 0))],
        out_specs=[
            pl.BlockSpec((_B, _NQP), lambda i: (0, 0)),
            pl.BlockSpec((_B, _NQP), lambda i: (0, 0)),
            pl.BlockSpec((_B, 128), lambda i: (0, 0)),
            pl.BlockSpec((_B, 128), lambda i: (0, 0)),
        ],
        out_shape=[
            jax.ShapeDtypeStruct((_B, _NQP), jnp.int32),
            jax.ShapeDtypeStruct((_B, _NQP), jnp.int32),
            jax.ShapeDtypeStruct((_B, 128), jnp.int32),
            jax.ShapeDtypeStruct((_B, 128), jnp.int32),
        ],
    )(logits_tp)



def _sc_body(bits_hbm, lab_hbm, cx_hbm, cy_hbm, w_hbm, h_hbm,
             ustar_hbm, need_hbm, base_hbm,
             obits_hbm, oidx_hbm, olab_hbm, ocx_hbm, ocy_hbm, ow_hbm, oh_hbm,
             bits_v, ustar_v, need_v, base_v,
             obits_v, oidx_v, gidx_v, olab_v, ocx_v, ocy_v, ow_v, oh_v, sem):
    wid = lax.axis_index("s") * 2 + lax.axis_index("c")

    @pl.when(wid < _B)
    def _work():
        img = wid
        pltpu.sync_copy(bits_hbm.at[img], bits_v)
        pltpu.sync_copy(ustar_hbm.at[img], ustar_v)
        pltpu.sync_copy(need_hbm.at[img], need_v)
        pltpu.sync_copy(base_hbm.at[img], base_v)
        iota16 = lax.broadcasted_iota(jnp.int32, (_L,), 0)
        zero16 = iota16 * 0
        ustar = ustar_v[pl.ds(0, _L)]
        need = need_v[pl.ds(0, _L)]
        base = base_v[pl.ds(0, _L)]

        for t in range(288, _KP, _L):
            obits_v[pl.ds(t, _L)] = zero16 - 1
            oidx_v[pl.ds(t, _L)] = zero16

        def chunk(c, carry):
            c_sel, c_eq, idxv = carry
            v = bits_v[pl.ds(c * _L, _L)]
            gt = v > ustar
            eq = v == ustar
            eqi = eq.astype(jnp.int32)
            excl_eq = plsc.cumsum(eqi) - eqi
            sel = gt | (eq & ((c_eq + excl_eq) < need))
            plsc.store_compressed(obits_v.at[pl.ds(c_sel, _L)], v, mask=sel)
            plsc.store_compressed(oidx_v.at[pl.ds(c_sel, _L)], idxv, mask=sel)
            return (c_sel + jnp.sum(sel.astype(jnp.int32)),
                    c_eq + plsc.all_reduce_population_count(eq),
                    idxv + _L)

        lax.fori_loop(0, _NCHUNK, chunk,
                      (jnp.int32(0), zero16, iota16))

        for g in range(_KP // _L):
            gidx_v[pl.ds(g * _L, _L)] = oidx_v[pl.ds(g * _L, _L)] + base

        pltpu.async_copy(lab_hbm.at[gidx_v], olab_v, sem).wait()
        pltpu.async_copy(cx_hbm.at[gidx_v], ocx_v, sem).wait()
        pltpu.async_copy(cy_hbm.at[gidx_v], ocy_v, sem).wait()
        pltpu.async_copy(w_hbm.at[gidx_v], ow_v, sem).wait()
        pltpu.async_copy(h_hbm.at[gidx_v], oh_v, sem).wait()

        pltpu.sync_copy(obits_v.at[pl.ds(0, _KP)], obits_hbm.at[img])
        pltpu.sync_copy(oidx_v.at[pl.ds(0, _KP)], oidx_hbm.at[img])
        pltpu.sync_copy(olab_v, olab_hbm.at[img])
        pltpu.sync_copy(ocx_v, ocx_hbm.at[img])
        pltpu.sync_copy(ocy_v, ocy_hbm.at[img])
        pltpu.sync_copy(ow_v, ow_hbm.at[img])
        pltpu.sync_copy(oh_v, oh_hbm.at[img])


def _sc_compact_gather(bits, labels, cxp, cyp, wp, hp, meta):
    mesh = plsc.VectorSubcoreMesh(core_axis_name="c", subcore_axis_name="s")
    f32, i32 = jnp.float32, jnp.int32
    run = functools.partial(
        pl.kernel, mesh=mesh,
        compiler_params=pltpu.CompilerParams(needs_layout_passes=False),
        out_type=[
            jax.ShapeDtypeStruct((_B, _KP), i32),
            jax.ShapeDtypeStruct((_B, _KP), i32),
            jax.ShapeDtypeStruct((_B, _KP), i32),
            jax.ShapeDtypeStruct((_B, _KP), f32),
            jax.ShapeDtypeStruct((_B, _KP), f32),
            jax.ShapeDtypeStruct((_B, _KP), f32),
            jax.ShapeDtypeStruct((_B, _KP), f32),
        ],
        scratch_types=[
            pltpu.VMEM((_NQP,), i32),
            pltpu.VMEM((128,), i32),
            pltpu.VMEM((128,), i32),
            pltpu.VMEM((128,), i32),
            pltpu.VMEM((_KP + _L,), i32),
            pltpu.VMEM((_KP + _L,), i32),
            pltpu.VMEM((_KP,), i32),
            pltpu.VMEM((_KP,), i32),
            pltpu.VMEM((_KP,), f32),
            pltpu.VMEM((_KP,), f32),
            pltpu.VMEM((_KP,), f32),
            pltpu.VMEM((_KP,), f32),
            pltpu.SemaphoreType.DMA,
        ],
    )(_sc_body)
    base = jnp.broadcast_to(
        (jnp.arange(_B, dtype=i32) * _NQP)[:, None], (_B, 128))
    return run(bits, labels.reshape(-1), cxp.reshape(-1), cyp.reshape(-1),
               wp.reshape(-1), hp.reshape(-1),
               meta[0], meta[1], base)



def _order_kernel(bits_row_ref, bits_col_ref, idx_row_ref, idx_col_ref,
                  lab_ref, cx_ref, cy_ref, w_ref, h_ref, sizes_ref,
                  scores_out, labels_out, x1_out, y1_out, x2_out, y2_out):
    brow = bits_row_ref[0]
    bcol = bits_col_ref[0]
    irow = idx_row_ref[0]
    icol = idx_col_ref[0]

    before = (brow > bcol) | ((brow == bcol) & (irow < icol))
    rank = jnp.sum(before.astype(jnp.int32), axis=1, keepdims=True)

    outpos = lax.broadcasted_iota(jnp.int32, (_KP, _KP), 1)
    perm = (rank == outpos).astype(jnp.float32)

    srow = jnp.where(brow >= 0,
                     lax.bitcast_convert_type(brow, jnp.float32), 0.0)
    lrow = lab_ref[0].astype(jnp.float32)
    stream_i = lax.broadcasted_iota(jnp.int32, (8, _KP), 0)
    vt = jnp.where(stream_i == 0, jnp.broadcast_to(srow, (8, _KP)), 0.0)
    vt = jnp.where(stream_i == 1, jnp.broadcast_to(lrow, (8, _KP)), vt)
    vt = jnp.where(stream_i == 2, jnp.broadcast_to(cx_ref[0], (8, _KP)), vt)
    vt = jnp.where(stream_i == 3, jnp.broadcast_to(cy_ref[0], (8, _KP)), vt)
    vt = jnp.where(stream_i == 4, jnp.broadcast_to(w_ref[0], (8, _KP)), vt)
    vt = jnp.where(stream_i == 5, jnp.broadcast_to(h_ref[0], (8, _KP)), vt)

    r = lax.dot_general(vt, perm, (((1,), (0,)), ((), ())),
                        precision=lax.Precision.HIGHEST,
                        preferred_element_type=jnp.float32)

    i = pl.program_id(0)
    hrow = sizes_ref[pl.ds(i, 1), 0:1]
    wrow = sizes_ref[pl.ds(i, 1), 1:2]
    img_h = jnp.broadcast_to(hrow, (1, _KP))
    img_w = jnp.broadcast_to(wrow, (1, _KP))
    cxa = r[2:3, :]
    cya = r[3:4, :]
    wa = r[4:5, :]
    ha = r[5:6, :]
    scores_out[0] = r[0:1, :]
    labels_out[0] = r[1:2, :].astype(jnp.int32)
    x1_out[0] = (cxa - 0.5 * wa) * img_w
    y1_out[0] = (cya - 0.5 * ha) * img_h
    x2_out[0] = (cxa + 0.5 * wa) * img_w
    y2_out[0] = (cya + 0.5 * ha) * img_h


def _stage_c(cbits, cidx, clab, ccx, ccy, cw, ch, target_sizes):
    row = lambda a: a.reshape(_B, 1, _KP)
    col = lambda a: a.reshape(_B, _KP, 1)
    rspec = pl.BlockSpec((1, 1, _KP), lambda i: (i, 0, 0))
    cspec = pl.BlockSpec((1, _KP, 1), lambda i: (i, 0, 0))
    outs = pl.pallas_call(
        _order_kernel,
        grid=(_B,),
        in_specs=[rspec, cspec, rspec, cspec,
                  rspec, rspec, rspec, rspec, rspec,
                  pl.BlockSpec((_B, 2), lambda i: (0, 0))],
        out_specs=[rspec] * 6,
        out_shape=[
            jax.ShapeDtypeStruct((_B, 1, _KP), jnp.float32),
            jax.ShapeDtypeStruct((_B, 1, _KP), jnp.int32),
            jax.ShapeDtypeStruct((_B, 1, _KP), jnp.float32),
            jax.ShapeDtypeStruct((_B, 1, _KP), jnp.float32),
            jax.ShapeDtypeStruct((_B, 1, _KP), jnp.float32),
            jax.ShapeDtypeStruct((_B, 1, _KP), jnp.float32),
        ],
    )(row(cbits), col(cbits), row(cidx), col(cidx),
      row(clab), row(ccx), row(ccy), row(cw), row(ch), target_sizes)
    return [o.reshape(_B, _KP)[:, :_K] for o in outs]



def kernel(pred_logits, pred_boxes, target_sizes):
    logits_t = jnp.transpose(pred_logits, (0, 2, 1))
    logits_tp = logits_t
    pad_q = lambda a: jnp.pad(a, ((0, 0), (0, _NQP - _NQ)))
    cxp = pad_q(pred_boxes[..., 0])
    cyp = pad_q(pred_boxes[..., 1])
    wp = pad_q(pred_boxes[..., 2])
    hp = pad_q(pred_boxes[..., 3])

    bits, labels, ustar_arr, need_arr = _stage_a(logits_tp)
    comp = _sc_compact_gather(bits, labels, cxp, cyp, wp, hp,
                              (ustar_arr, need_arr))
    top_scores, top_labels, x1, y1, x2, y2 = _stage_c(*comp, target_sizes)
    top_boxes = jnp.stack([x1, y1, x2, y2], axis=-1)
    return top_scores, top_labels, top_boxes

# --- scband reference (transcript-rebuilt; emitter-appended) ---
"""Pipeline reference for scband-rtdetrpost-processor-8117488190270 (READ-ONLY COPY).

The authoritative reference and input builder live on the scoring server;
editing this copy changes nothing except your own understanding.
"""

import jax, jax.numpy as jnp
import numpy as np

MAX_DET = 300

def setup_inputs(seed: int = 0) -> dict:
    key = jax.random.key(seed)
    k1, k2, k3 = jax.random.split(key, 3)
    pred_logits = jax.random.normal(k1, (16, 5000, 80), dtype=jnp.float32)
    pred_boxes = jax.random.uniform(k2, (16, 5000, 4), dtype=jnp.float32)
    target_sizes = jax.random.uniform(k3, (16, 2), dtype=jnp.float32)
    return {"pred_logits": pred_logits, "pred_boxes": pred_boxes, "target_sizes": target_sizes}

def box_cxcywh_to_xyxy(b):
    cx, cy, w, h = b[..., 0], b[..., 1], b[..., 2], b[..., 3]
    return jnp.stack([cx - 0.5 * w, cy - 0.5 * h, cx + 0.5 * w, cy + 0.5 * h], axis=-1)

def reference(pred_logits, pred_boxes, target_sizes):
    # use_focal_loss=True -> sigmoid
    prob = jax.nn.sigmoid(pred_logits)
    scores = jnp.max(prob, axis=-1)
    labels = jnp.argmax(prob, axis=-1)
    boxes = box_cxcywh_to_xyxy(pred_boxes)
    img_h = target_sizes[:, 0]
    img_w = target_sizes[:, 1]
    scale_fct = jnp.stack([img_w, img_h, img_w, img_h], axis=1)
    boxes = boxes * scale_fct[:, None, :]
    # score_threshold=0.0 and sigmoid outputs > 0 -> all queries kept (static shapes)
    # use_nms=False -> skip per-class NMS branch
    # len(batch_boxes)=5000 > max_detections=300 -> top-k selection per image
    top_scores, top_idx = jax.lax.top_k(scores, MAX_DET)
    top_labels = jnp.take_along_axis(labels, top_idx, axis=1)
    top_boxes = jnp.take_along_axis(boxes, top_idx[..., None], axis=1)
    return top_scores, top_labels, top_boxes

if __name__ == "__main__":
    import jax
    _d = setup_inputs()
    print(jax.jit(kernel)(*tuple(_d.values())))

</pallas_src>

<mosaic_0001>
#map = affine_map<(d0, d1) -> (0, 0)>
#map1 = affine_map<(d0, d1) -> (0)>
module attributes {stable_mosaic.version = 14 : i64} {
  func.func @_sc_body(%arg0: i32, %arg1: i32, %arg2: memref<16x5120xi32, #tpu.memory_space<hbm>>, %arg3: memref<81920xi32, #tpu.memory_space<hbm>>, %arg4: memref<81920xf32, #tpu.memory_space<hbm>>, %arg5: memref<81920xf32, #tpu.memory_space<hbm>>, %arg6: memref<81920xf32, #tpu.memory_space<hbm>>, %arg7: memref<81920xf32, #tpu.memory_space<hbm>>, %arg8: memref<16x128xi32, #tpu.memory_space<hbm>>, %arg9: memref<16x128xi32, #tpu.memory_space<hbm>>, %arg10: memref<16x128xi32, #tpu.memory_space<hbm>>, %arg11: memref<16x384xi32, #tpu.memory_space<hbm>>, %arg12: memref<16x384xi32, #tpu.memory_space<hbm>>, %arg13: memref<16x384xi32, #tpu.memory_space<hbm>>, %arg14: memref<16x384xf32, #tpu.memory_space<hbm>>, %arg15: memref<16x384xf32, #tpu.memory_space<hbm>>, %arg16: memref<16x384xf32, #tpu.memory_space<hbm>>, %arg17: memref<16x384xf32, #tpu.memory_space<hbm>>, %arg18: memref<5120xi32, #tpu.memory_space<vmem>>, %arg19: memref<128xi32, #tpu.memory_space<vmem>>, %arg20: memref<128xi32, #tpu.memory_space<vmem>>, %arg21: memref<128xi32, #tpu.memory_space<vmem>>, %arg22: memref<400xi32, #tpu.memory_space<vmem>>, %arg23: memref<400xi32, #tpu.memory_space<vmem>>, %arg24: memref<384xi32, #tpu.memory_space<vmem>>, %arg25: memref<384xi32, #tpu.memory_space<vmem>>, %arg26: memref<384xf32, #tpu.memory_space<vmem>>, %arg27: memref<384xf32, #tpu.memory_space<vmem>>, %arg28: memref<384xf32, #tpu.memory_space<vmem>>, %arg29: memref<384xf32, #tpu.memory_space<vmem>>, %arg30: memref<!tpu.dma_semaphore, #tpu.memory_space<semaphore_mem>>) attributes {dimension_semantics = [#tpu.dimension_semantics<core_parallel>, #tpu.dimension_semantics<subcore_parallel>], iteration_bounds = array<i64: 2, 16>, scalar_prefetch = 0 : i64, scratch_operands = 13 : i64, tpu.core_type = #tpu.core_type<sc_vector_subcore>, window_params = [{transform_indices = #map}, {transform_indices = #map1}, {transform_indices = #map1}, {transform_indices = #map1}, {transform_indices = #map1}, {transform_indices = #map1}, {transform_indices = #map}, {transform_indices = #map}, {transform_indices = #map}, {transform_indices = #map}, {transform_indices = #map}, {transform_indices = #map}, {transform_indices = #map}, {transform_indices = #map}, {transform_indices = #map}, {transform_indices = #map}]} {
    %mul3A = arith.constant 2 : i32
    %mul3A_0 = arith.muli %arg1, %mul3A : i32
    %add3A = arith.addi %mul3A_0, %arg0 : i32
    %lt3A = arith.constant 16 : i32
    %lt3A_1 = arith.cmpi slt, %add3A, %lt3A : i32
    %convert_element_type3A = arith.extui %lt3A_1 : i1 to i32
    %cond3A = arith.constant 0 : i32
    %cond3A_2 = arith.cmpi ne, %convert_element_type3A, %cond3A : i32
    scf.if %cond3A_2 {
      "tpu.region"() ({
        %run_scoped3A = tpu.sem_alloc : memref<!tpu.dma_semaphore, #tpu.memory_space<semaphore_mem>>
        %dma_start3A_195 = arith.constant 0 : i32
        %dma_start3A_196 = tpu.memref_slice %arg2[%add3A, %dma_start3A_195] : memref<16x5120xi32, #tpu.memory_space<hbm>> -> memref<1x5120xi32, #tpu.memory_space<hbm>>
        %dma_start3A_197 = tpu.memref_squeeze %dma_start3A_196 : memref<1x5120xi32, #tpu.memory_space<hbm>> -> memref<5120xi32, #tpu.memory_space<hbm>>
        %dma_start3A_198 = arith.constant 0 : i32
        %dma_start3A_199 = tpu.memref_slice %arg2[%add3A, %dma_start3A_198] : memref<16x5120xi32, #tpu.memory_space<hbm>> -> memref<1x5120xi32, #tpu.memory_space<hbm>>
        %dma_start3A_200 = tpu.memref_squeeze %dma_start3A_199 : memref<1x5120xi32, #tpu.memory_space<hbm>> -> memref<5120xi32, #tpu.memory_space<hbm>>
        tpu.enqueue_dma source(%dma_start3A_200 : memref<5120xi32, #tpu.memory_space<hbm>>) target(%arg18 : memref<5120xi32, #tpu.memory_space<vmem>>) target_semaphore(%run_scoped3A : memref<!tpu.dma_semaphore, #tpu.memory_space<semaphore_mem>>)
        %dma_wait3A_201 = arith.constant 0 : i32
        %dma_wait3A_202 = tpu.memref_slice %arg2[%add3A, %dma_wait3A_201] : memref<16x5120xi32, #tpu.memory_space<hbm>> -> memref<1x5120xi32, #tpu.memory_space<hbm>>
        %dma_wait3A_203 = tpu.memref_squeeze %dma_wait3A_202 : memref<1x5120xi32, #tpu.memory_space<hbm>> -> memref<5120xi32, #tpu.memory_space<hbm>>
        %dma_wait3A_204 = arith.constant 0 : i32
        %dma_wait3A_205 = tpu.memref_slice %arg2[%add3A, %dma_wait3A_204] : memref<16x5120xi32, #tpu.memory_space<hbm>> -> memref<1x5120xi32, #tpu.memory_space<hbm>>
        %dma_wait3A_206 = tpu.memref_squeeze %dma_wait3A_205 : memref<1x5120xi32, #tpu.memory_space<hbm>> -> memref<5120xi32, #tpu.memory_space<hbm>>
        tpu.wait_dma2 semaphore(%run_scoped3A : memref<!tpu.dma_semaphore, #tpu.memory_space<semaphore_mem>>) src(%dma_wait3A_206 : memref<5120xi32, #tpu.memory_space<hbm>>) dst(%arg18 : memref<5120xi32, #tpu.memory_space<vmem>>)
        tpu.yield
      }) : () -> ()
      "tpu.region"() ({
        %run_scoped3A = tpu.sem_alloc : memref<!tpu.dma_semaphore, #tpu.memory_space<semaphore_mem>>
        %dma_start3A_195 = arith.constant 0 : i32
        %dma_start3A_196 = tpu.memref_slice %arg8[%add3A, %dma_start3A_195] : memref<16x128xi32, #tpu.memory_space<hbm>> -> memref<1x128xi32, #tpu.memory_space<hbm>>
        %dma_start3A_197 = tpu.memref_squeeze %dma_start3A_196 : memref<1x128xi32, #tpu.memory_space<hbm>> -> memref<128xi32, #tpu.memory_space<hbm>>
        %dma_start3A_198 = arith.constant 0 : i32
        %dma_start3A_199 = tpu.memref_slice %arg8[%add3A, %dma_start3A_198] : memref<16x128xi32, #tpu.memory_space<hbm>> -> memref<1x128xi32, #tpu.memory_space<hbm>>
        %dma_start3A_200 = tpu.memref_squeeze %dma_start3A_199 : memref<1x128xi32, #tpu.memory_space<hbm>> -> memref<128xi32, #tpu.memory_space<hbm>>
        tpu.enqueue_dma source(%dma_start3A_200 : memref<128xi32, #tpu.memory_space<hbm>>) target(%arg19 : memref<128xi32, #tpu.memory_space<vmem>>) target_semaphore(%run_scoped3A : memref<!tpu.dma_semaphore, #tpu.memory_space<semaphore_mem>>)
        %dma_wait3A_201 = arith.constant 0 : i32
        %dma_wait3A_202 = tpu.memref_slice %arg8[%add3A, %dma_wait3A_201] : memref<16x128xi32, #tpu.memory_space<hbm>> -> memref<1x128xi32, #tpu.memory_space<hbm>>
        %dma_wait3A_203 = tpu.memref_squeeze %dma_wait3A_202 : memref<1x128xi32, #tpu.memory_space<hbm>> -> memref<128xi32, #tpu.memory_space<hbm>>
        %dma_wait3A_204 = arith.constant 0 : i32
        %dma_wait3A_205 = tpu.memref_slice %arg8[%add3A, %dma_wait3A_204] : memref<16x128xi32, #tpu.memory_space<hbm>> -> memref<1x128xi32, #tpu.memory_space<hbm>>
        %dma_wait3A_206 = tpu.memref_squeeze %dma_wait3A_205 : memref<1x128xi32, #tpu.memory_space<hbm>> -> memref<128xi32, #tpu.memory_space<hbm>>
        tpu.wait_dma2 semaphore(%run_scoped3A : memref<!tpu.dma_semaphore, #tpu.memory_space<semaphore_mem>>) src(%dma_wait3A_206 : memref<128xi32, #tpu.memory_space<hbm>>) dst(%arg19 : memref<128xi32, #tpu.memory_space<vmem>>)
        tpu.yield
      }) : () -> ()
      "tpu.region"() ({
        %run_scoped3A = tpu.sem_alloc : memref<!tpu.dma_semaphore, #tpu.memory_space<semaphore_mem>>
        %dma_start3A_195 = arith.constant 0 : i32
        %dma_start3A_196 = tpu.memref_slice %arg9[%add3A, %dma_start3A_195] : memref<16x128xi32, #tpu.memory_space<hbm>> -> memref<1x128xi32, #tpu.memory_space<hbm>>
        %dma_start3A_197 = tpu.memref_squeeze %dma_start3A_196 : memref<1x128xi32, #tpu.memory_space<hbm>> -> memref<128xi32, #tpu.memory_space<hbm>>
        %dma_start3A_198 = arith.constant 0 : i32
        %dma_start3A_199 = tpu.memref_slice %arg9[%add3A, %dma_start3A_198] : memref<16x128xi32, #tpu.memory_space<hbm>> -> memref<1x128xi32, #tpu.memory_space<hbm>>
        %dma_start3A_200 = tpu.memref_squeeze %dma_start3A_199 : memref<1x128xi32, #tpu.memory_space<hbm>> -> memref<128xi32, #tpu.memory_space<hbm>>
        tpu.enqueue_dma source(%dma_start3A_200 : memref<128xi32, #tpu.memory_space<hbm>>) target(%arg20 : memref<128xi32, #tpu.memory_space<vmem>>) target_semaphore(%run_scoped3A : memref<!tpu.dma_semaphore, #tpu.memory_space<semaphore_mem>>)
        %dma_wait3A_201 = arith.constant 0 : i32
        %dma_wait3A_202 = tpu.memref_slice %arg9[%add3A, %dma_wait3A_201] : memref<16x128xi32, #tpu.memory_space<hbm>> -> memref<1x128xi32, #tpu.memory_space<hbm>>
        %dma_wait3A_203 = tpu.memref_squeeze %dma_wait3A_202 : memref<1x128xi32, #tpu.memory_space<hbm>> -> memref<128xi32, #tpu.memory_space<hbm>>
        %dma_wait3A_204 = arith.constant 0 : i32
        %dma_wait3A_205 = tpu.memref_slice %arg9[%add3A, %dma_wait3A_204] : memref<16x128xi32, #tpu.memory_space<hbm>> -> memref<1x128xi32, #tpu.memory_space<hbm>>
        %dma_wait3A_206 = tpu.memref_squeeze %dma_wait3A_205 : memref<1x128xi32, #tpu.memory_space<hbm>> -> memref<128xi32, #tpu.memory_space<hbm>>
        tpu.wait_dma2 semaphore(%run_scoped3A : memref<!tpu.dma_semaphore, #tpu.memory_space<semaphore_mem>>) src(%dma_wait3A_206 : memref<128xi32, #tpu.memory_space<hbm>>) dst(%arg20 : memref<128xi32, #tpu.memory_space<vmem>>)
        tpu.yield
      }) : () -> ()
      "tpu.region"() ({
        %run_scoped3A = tpu.sem_alloc : memref<!tpu.dma_semaphore, #tpu.memory_space<semaphore_mem>>
        %dma_start3A_195 = arith.constant 0 : i32
        %dma_start3A_196 = tpu.memref_slice %arg10[%add3A, %dma_start3A_195] : memref<16x128xi32, #tpu.memory_space<hbm>> -> memref<1x128xi32, #tpu.memory_space<hbm>>
        %dma_start3A_197 = tpu.memref_squeeze %dma_start3A_196 : memref<1x128xi32, #tpu.memory_space<hbm>> -> memref<128xi32, #tpu.memory_space<hbm>>
        %dma_start3A_198 = arith.constant 0 : i32
        %dma_start3A_199 = tpu.memref_slice %arg10[%add3A, %dma_start3A_198] : memref<16x128xi32, #tpu.memory_space<hbm>> -> memref<1x128xi32, #tpu.memory_space<hbm>>
        %dma_start3A_200 = tpu.memref_squeeze %dma_start3A_199 : memref<1x128xi32, #tpu.memory_space<hbm>> -> memref<128xi32, #tpu.memory_space<hbm>>
        tpu.enqueue_dma source(%dma_start3A_200 : memref<128xi32, #tpu.memory_space<hbm>>) target(%arg21 : memref<128xi32, #tpu.memory_space<vmem>>) target_semaphore(%run_scoped3A : memref<!tpu.dma_semaphore, #tpu.memory_space<semaphore_mem>>)
        %dma_wait3A_201 = arith.constant 0 : i32
        %dma_wait3A_202 = tpu.memref_slice %arg10[%add3A, %dma_wait3A_201] : memref<16x128xi32, #tpu.memory_space<hbm>> -> memref<1x128xi32, #tpu.memory_space<hbm>>
        %dma_wait3A_203 = tpu.memref_squeeze %dma_wait3A_202 : memref<1x128xi32, #tpu.memory_space<hbm>> -> memref<128xi32, #tpu.memory_space<hbm>>
        %dma_wait3A_204 = arith.constant 0 : i32
        %dma_wait3A_205 = tpu.memref_slice %arg10[%add3A, %dma_wait3A_204] : memref<16x128xi32, #tpu.memory_space<hbm>> -> memref<1x128xi32, #tpu.memory_space<hbm>>
        %dma_wait3A_206 = tpu.memref_squeeze %dma_wait3A_205 : memref<1x128xi32, #tpu.memory_space<hbm>> -> memref<128xi32, #tpu.memory_space<hbm>>
        tpu.wait_dma2 semaphore(%run_scoped3A : memref<!tpu.dma_semaphore, #tpu.memory_space<semaphore_mem>>) src(%dma_wait3A_206 : memref<128xi32, #tpu.memory_space<hbm>>) dst(%arg21 : memref<128xi32, #tpu.memory_space<vmem>>)
        tpu.yield
      }) : () -> ()
      %iota3A = tpu.iota {dimensions = array<i32: 0>} : vector<16xi32>
      %mul3A_3 = arith.constant 0 : i32
      %mul3A_4 = vector.broadcast %mul3A_3 : i32 to vector<16xi32>
      %mul3A_5 = arith.muli %iota3A, %mul3A_4 : vector<16xi32>
      %get3A = arith.constant 0 : index
      %get3A_6 = tpu.vector_load %arg19[%get3A] {strides = array<i32>} : memref<128xi32, #tpu.memory_space<vmem>>, vector<16xi32>,
      %get3A_7 = arith.constant 0 : index
      %get3A_8 = tpu.vector_load %arg20[%get3A_7] {strides = array<i32>} : memref<128xi32, #tpu.memory_space<vmem>>, vector<16xi32>,
      %get3A_9 = arith.constant 0 : index
      %get3A_10 = tpu.vector_load %arg21[%get3A_9] {strides = array<i32>} : memref<128xi32, #tpu.memory_space<vmem>>, vector<16xi32>,
      %sub3A = arith.constant 1 : i32
      %sub3A_11 = vector.broadcast %sub3A : i32 to vector<16xi32>
      %sub3A_12 = arith.subi %mul3A_5, %sub3A_11 : vector<16xi32>
      %swap3A = arith.constant 288 : index
      %swap3A_13 = tpu.vector_load %arg22[%swap3A] {strides = array<i32>} : memref<400xi32, #tpu.memory_space<vmem>>, vector<16xi32>,
      tpu.vector_store %arg22[%swap3A], %sub3A_12 {strides = array<i32>} : memref<400xi32, #tpu.memory_space<vmem>>, vector<16xi32>,
      %swap3A_14 = arith.constant 288 : index
      %swap3A_15 = tpu.vector_load %arg23[%swap3A_14] {strides = array<i32>} : memref<400xi32, #tpu.memory_space<vmem>>, vector<16xi32>,
      tpu.vector_store %arg23[%swap3A_14], %mul3A_5 {strides = array<i32>} : memref<400xi32, #tpu.memory_space<vmem>>, vector<16xi32>,
      %sub3A_16 = arith.constant 1 : i32
      %sub3A_17 = vector.broadcast %sub3A_16 : i32 to vector<16xi32>
      %sub3A_18 = arith.subi %mul3A_5, %sub3A_17 : vector<16xi32>
      %swap3A_19 = arith.constant 304 : index
      %swap3A_20 = tpu.vector_load %arg22[%swap3A_19] {strides = array<i32>} : memref<400xi32, #tpu.memory_space<vmem>>, vector<16xi32>,
      tpu.vector_store %arg22[%swap3A_19], %sub3A_18 {strides = array<i32>} : memref<400xi32, #tpu.memory_space<vmem>>, vector<16xi32>,
      %swap3A_21 = arith.constant 304 : index
      %swap3A_22 = tpu.vector_load %arg23[%swap3A_21] {strides = array<i32>} : memref<400xi32, #tpu.memory_space<vmem>>, vector<16xi32>,
      tpu.vector_store %arg23[%swap3A_21], %mul3A_5 {strides = array<i32>} : memref<400xi32, #tpu.memory_space<vmem>>, vector<16xi32>,
      %sub3A_23 = arith.constant 1 : i32
      %sub3A_24 = vector.broadcast %sub3A_23 : i32 to vector<16xi32>
      %sub3A_25 = arith.subi %mul3A_5, %sub3A_24 : vector<16xi32>
      %swap3A_26 = arith.constant 320 : index
      %swap3A_27 = tpu.vector_load %arg22[%swap3A_26] {strides = array<i32>} : memref<400xi32, #tpu.memory_space<vmem>>, vector<16xi32>,
      tpu.vector_store %arg22[%swap3A_26], %sub3A_25 {strides = array<i32>} : memref<400xi32, #tpu.memory_space<vmem>>, vector<16xi32>,
      %swap3A_28 = arith.constant 320 : index
      %swap3A_29 = tpu.vector_load %arg23[%swap3A_28] {strides = array<i32>} : memref<400xi32, #tpu.memory_space<vmem>>, vector<16xi32>,
      tpu.vector_store %arg23[%swap3A_28], %mul3A_5 {strides = array<i32>} : memref<400xi32, #tpu.memory_space<vmem>>, vector<16xi32>,
      %sub3A_30 = arith.constant 1 : i32
      %sub3A_31 = vector.broadcast %sub3A_30 : i32 to vector<16xi32>
      %sub3A_32 = arith.subi %mul3A_5, %sub3A_31 : vector<16xi32>
      %swap3A_33 = arith.constant 336 : index
      %swap3A_34 = tpu.vector_load %arg22[%swap3A_33] {strides = array<i32>} : memref<400xi32, #tpu.memory_space<vmem>>, vector<16xi32>,
      tpu.vector_store %arg22[%swap3A_33], %sub3A_32 {strides = array<i32>} : memref<400xi32, #tpu.memory_space<vmem>>, vector<16xi32>,
      %swap3A_35 = arith.constant 336 : index
      %swap3A_36 = tpu.vector_load %arg23[%swap3A_35] {strides = array<i32>} : memref<400xi32, #tpu.memory_space<vmem>>, vector<16xi32>,
      tpu.vector_store %arg23[%swap3A_35], %mul3A_5 {strides = array<i32>} : memref<400xi32, #tpu.memory_space<vmem>>, vector<16xi32>,
      %sub3A_37 = arith.constant 1 : i32
      %sub3A_38 = vector.broadcast %sub3A_37 : i32 to vector<16xi32>
      %sub3A_39 = arith.subi %mul3A_5, %sub3A_38 : vector<16xi32>
      %swap3A_40 = arith.constant 352 : index
      %swap3A_41 = tpu.vector_load %arg22[%swap3A_40] {strides = array<i32>} : memref<400xi32, #tpu.memory_space<vmem>>, vector<16xi32>,
      tpu.vector_store %arg22[%swap3A_40], %sub3A_39 {strides = array<i32>} : memref<400xi32, #tpu.memory_space<vmem>>, vector<16xi32>,
      %swap3A_42 = arith.constant 352 : index
      %swap3A_43 = tpu.vector_load %arg23[%swap3A_42] {strides = array<i32>} : memref<400xi32, #tpu.memory_space<vmem>>, vector<16xi32>,
      tpu.vector_store %arg23[%swap3A_42], %mul3A_5 {strides = array<i32>} : memref<400xi32, #tpu.memory_space<vmem>>, vector<16xi32>,
      %sub3A_44 = arith.constant 1 : i32
      %sub3A_45 = vector.broadcast %sub3A_44 : i32 to vector<16xi32>
      %sub3A_46 = arith.subi %mul3A_5, %sub3A_45 : vector<16xi32>
      %swap3A_47 = arith.constant 368 : index
      %swap3A_48 = tpu.vector_load %arg22[%swap3A_47] {strides = array<i32>} : memref<400xi32, #tpu.memory_space<vmem>>, vector<16xi32>,
      tpu.vector_store %arg22[%swap3A_47], %sub3A_46 {strides = array<i32>} : memref<400xi32, #tpu.memory_space<vmem>>, vector<16xi32>,
      %swap3A_49 = arith.constant 368 : index
      %swap3A_50 = tpu.vector_load %arg23[%swap3A_49] {strides = array<i32>} : memref<400xi32, #tpu.memory_space<vmem>>, vector<16xi32>,
      tpu.vector_store %arg23[%swap3A_49], %mul3A_5 {strides = array<i32>} : memref<400xi32, #tpu.memory_space<vmem>>, vector<16xi32>,
      %scan3A = arith.constant 0 : i32
      %scan3A_51 = arith.constant 0 : i32
      %scan3A_52 = arith.constant 320 : i32
      %scan3A_53 = arith.addi %scan3A_51, %scan3A_52 : i32
      %scan3A_54 = arith.constant 1 : i32
      %scan3A_55:3 = scf.for %scan3A_195 = %scan3A_51 to %scan3A_53 step %scan3A_54 iter_args(%scan3A_196 = %scan3A, %scan3A_197 = %mul3A_5, %scan3A_198 = %iota3A) -> (i32, vector<16xi32>, vector<16xi32>)  : i32 {
        %mul3A_199 = arith.constant 16 : i32
        %mul3A_200 = arith.muli %scan3A_195, %mul3A_199 : i32
        %get3A_201 = arith.index_cast %mul3A_200 : i32 to index
        %get3A_202 = tpu.vector_load %arg18[%get3A_201] {strides = array<i32>} : memref<5120xi32, #tpu.memory_space<vmem>>, vector<16xi32>,
        %gt3A = arith.cmpi sgt, %get3A_202, %get3A_6 : vector<16xi32>
        %eq3A = arith.cmpi eq, %get3A_202, %get3A_6 : vector<16xi32>
        %convert_element_type3A_203 = arith.extui %eq3A : vector<16xi1> to vector<16xi32>
        %broadcast_in_dim3A = arith.constant true
        %broadcast_in_dim3A_204 = vector.broadcast %broadcast_in_dim3A : i1 to vector<16xi1>
        %masked_cumsum3A = tpu.scan <sum>, %convert_element_type3A_203 masked %broadcast_in_dim3A_204 : vector<16xi32>, vector<16xi1> -> vector<16xi32>
        %sub3A_205 = arith.subi %masked_cumsum3A, %convert_element_type3A_203 : vector<16xi32>
        %add3A_206 = arith.addi %scan3A_197, %sub3A_205 : vector<16xi32>
        %lt3A_207 = arith.cmpi slt, %add3A_206, %get3A_8 : vector<16xi32>
        %and3A = arith.andi %eq3A, %lt3A_207 : vector<16xi1>
        %or3A = arith.ori %gt3A, %and3A : vector<16xi1>
        %swap3A_208 = arith.index_cast %scan3A_196 : i32 to index
        %swap3A_209 = tpu.vector_load %arg22[%swap3A_208] masked %or3A {strides = array<i32>} : memref<400xi32, #tpu.memory_space<vmem>>, vector<16xi32>, vector<16xi1>
        tpu.vector_store %arg22[%swap3A_208], %get3A_202 masked %or3A {strides = array<i32>} : memref<400xi32, #tpu.memory_space<vmem>>, vector<16xi32>, vector<16xi1>
        %swap3A_210 = arith.index_cast %scan3A_196 : i32 to index
        %swap3A_211 = tpu.vector_load %arg23[%swap3A_210] masked %or3A {strides = array<i32>} : memref<400xi32, #tpu.memory_space<vmem>>, vector<16xi32>, vector<16xi1>
        tpu.vector_store %arg23[%swap3A_210], %scan3A_198 masked %or3A {strides = array<i32>} : memref<400xi32, #tpu.memory_space<vmem>>, vector<16xi32>, vector<16xi1>
        %convert_element_type3A_212 = arith.extui %or3A : vector<16xi1> to vector<16xi32>
        %reduce_sum3A = arith.constant true
        %reduce_sum3A_213 = vector.broadcast %reduce_sum3A : i1 to vector<16xi1>
        %reduce_sum3A_214 = tpu.scan <sum>, %convert_element_type3A_212 masked %reduce_sum3A_213 : vector<16xi32>, vector<16xi1> -> vector<16xi32>
        %reduce_sum3A_215 = vector.extract %reduce_sum3A_214[15] : i32 from vector<16xi32>
        %add3A_216 = arith.addi %scan3A_196, %reduce_sum3A_215 : i32
        %all_reduce_population_count3A = tpu.all_reduce %eq3A {dim = 0 : i64, kind = #tpu.reduction_kind<sum>} : vector<16xi1> -> vector<16xi32>
        %add3A_217 = arith.addi %scan3A_197, %all_reduce_population_count3A : vector<16xi32>
        %add3A_218 = arith.constant 16 : i32
        %add3A_219 = vector.broadcast %add3A_218 : i32 to vector<16xi32>
        %add3A_220 = arith.addi %scan3A_198, %add3A_219 : vector<16xi32>
        scf.yield %add3A_216, %add3A_217, %add3A_220 : i32, vector<16xi32>, vector<16xi32>
      }
      %scan3A_56 = arith.constant 320 : i32
      %get3A_57 = arith.constant 0 : index
      %get3A_58 = tpu.vector_load %arg23[%get3A_57] {strides = array<i32>} : memref<400xi32, #tpu.memory_space<vmem>>, vector<16xi32>,
      %add3A_59 = arith.addi %get3A_58, %get3A_10 : vector<16xi32>
      %swap3A_60 = arith.constant 0 : index
      %swap3A_61 = tpu.vector_load %arg24[%swap3A_60] {strides = array<i32>} : memref<384xi32, #tpu.memory_space<vmem>>, vector<16xi32>,
      tpu.vector_store %arg24[%swap3A_60], %add3A_59 {strides = array<i32>} : memref<384xi32, #tpu.memory_space<vmem>>, vector<16xi32>,
      %get3A_62 = arith.constant 16 : index
      %get3A_63 = tpu.vector_load %arg23[%get3A_62] {strides = array<i32>} : memref<400xi32, #tpu.memory_space<vmem>>, vector<16xi32>,
      %add3A_64 = arith.addi %get3A_63, %get3A_10 : vector<16xi32>
      %swap3A_65 = arith.constant 16 : index
      %swap3A_66 = tpu.vector_load %arg24[%swap3A_65] {strides = array<i32>} : memref<384xi32, #tpu.memory_space<vmem>>, vector<16xi32>,
      tpu.vector_store %arg24[%swap3A_65], %add3A_64 {strides = array<i32>} : memref<384xi32, #tpu.memory_space<vmem>>, vector<16xi32>,
      %get3A_67 = arith.constant 32 : index
      %get3A_68 = tpu.vector_load %arg23[%get3A_67] {strides = array<i32>} : memref<400xi32, #tpu.memory_space<vmem>>, vector<16xi32>,
      %add3A_69 = arith.addi %get3A_68, %get3A_10 : vector<16xi32>
      %swap3A_70 = arith.constant 32 : index
      %swap3A_71 = tpu.vector_load %arg24[%swap3A_70] {strides = array<i32>} : memref<384xi32, #tpu.memory_space<vmem>>, vector<16xi32>,
      tpu.vector_store %arg24[%swap3A_70], %add3A_69 {strides = array<i32>} : memref<384xi32, #tpu.memory_space<vmem>>, vector<16xi32>,
      %get3A_72 = arith.constant 48 : index
      %get3A_73 = tpu.vector_load %arg23[%get3A_72] {strides = array<i32>} : memref<400xi32, #tpu.memory_space<vmem>>, vector<16xi32>,
      %add3A_74 = arith.addi %get3A_73, %get3A_10 : vector<16xi32>
      %swap3A_75 = arith.constant 48 : index
      %swap3A_76 = tpu.vector_load %arg24[%swap3A_75] {strides = array<i32>} : memref<384xi32, #tpu.memory_space<vmem>>, vector<16xi32>,
      tpu.vector_store %arg24[%swap3A_75], %add3A_74 {strides = array<i32>} : memref<384xi32, #tpu.memory_space<vmem>>, vector<16xi32>,
      %get3A_77 = arith.constant 64 : index
      %get3A_78 = tpu.vector_load %arg23[%get3A_77] {strides = array<i32>} : memref<400xi32, #tpu.memory_space<vmem>>, vector<16xi32>,
      %add3A_79 = arith.addi %get3A_78, %get3A_10 : vector<16xi32>
      %swap3A_80 = arith.constant 64 : index
      %swap3A_81 = tpu.vector_load %arg24[%swap3A_80] {strides = array<i32>} : memref<384xi32, #tpu.memory_space<vmem>>, vector<16xi32>,
      tpu.vector_store %arg24[%swap3A_80], %add3A_79 {strides = array<i32>} : memref<384xi32, #tpu.memory_space<vmem>>, vector<16xi32>,
      %get3A_82 = arith.constant 80 : index
      %get3A_83 = tpu.vector_load %arg23[%get3A_82] {strides = array<i32>} : memref<400xi32, #tpu.memory_space<vmem>>, vector<16xi32>,
      %add3A_84 = arith.addi %get3A_83, %get3A_10 : vector<16xi32>
      %swap3A_85 = arith.constant 80 : index
      %swap3A_86 = tpu.vector_load %arg24[%swap3A_85] {strides = array<i32>} : memref<384xi32, #tpu.memory_space<vmem>>, vector<16xi32>,
      tpu.vector_store %arg24[%swap3A_85], %add3A_84 {strides = array<i32>} : memref<384xi32, #tpu.memory_space<vmem>>, vector<16xi32>,
      %get3A_87 = arith.constant 96 : index
      %get3A_88 = tpu.vector_load %arg23[%get3A_87] {strides = array<i32>} : memref<400xi32, #tpu.memory_space<vmem>>, vector<16xi32>,
      %add3A_89 = arith.addi %get3A_88, %get3A_10 : vector<16xi32>
      %swap3A_90 = arith.constant 96 : index
      %swap3A_91 = tpu.vector_load %arg24[%swap3A_90] {strides = array<i32>} : memref<384xi32, #tpu.memory_space<vmem>>, vector<16xi32>,
      tpu.vector_store %arg24[%swap3A_90], %add3A_89 {strides = array<i32>} : memref<384xi32, #tpu.memory_space<vmem>>, vector<16xi32>,
      %get3A_92 = arith.constant 112 : index
      %get3A_93 = tpu.vector_load %arg23[%get3A_92] {strides = array<i32>} : memref<400xi32, #tpu.memory_space<vmem>>, vector<16xi32>,
      %add3A_94 = arith.addi %get3A_93, %get3A_10 : vector<16xi32>
      %swap3A_95 = arith.constant 112 : index
      %swap3A_96 = tpu.vector_load %arg24[%swap3A_95] {strides = array<i32>} : memref<384xi32, #tpu.memory_space<vmem>>, vector<16xi32>,
      tpu.vector_store %arg24[%swap3A_95], %add3A_94 {strides = array<i32>} : memref<384xi32, #tpu.memory_space<vmem>>, vector<16xi32>,
      %get3A_97 = arith.constant 128 : index
      %get3A_98 = tpu.vector_load %arg23[%get3A_97] {strides = array<i32>} : memref<400xi32, #tpu.memory_space<vmem>>, vector<16xi32>,
      %add3A_99 = arith.addi %get3A_98, %get3A_10 : vector<16xi32>
      %swap3A_100 = arith.constant 128 : index
      %swap3A_101 = tpu.vector_load %arg24[%swap3A_100] {strides = array<i32>} : memref<384xi32, #tpu.memory_space<vmem>>, vector<16xi32>,
      tpu.vector_store %arg24[%swap3A_100], %add3A_99 {strides = array<i32>} : memref<384xi32, #tpu.memory_space<vmem>>, vector<16xi32>,
      %get3A_102 = arith.constant 144 : index
      %get3A_103 = tpu.vector_load %arg23[%get3A_102] {strides = array<i32>} : memref<400xi32, #tpu.memory_space<vmem>>, vector<16xi32>,
      %add3A_104 = arith.addi %get3A_103, %get3A_10 : vector<16xi32>
      %swap3A_105 = arith.constant 144 : index
      %swap3A_106 = tpu.vector_load %arg24[%swap3A_105] {strides = array<i32>} : memref<384xi32, #tpu.memory_space<vmem>>, vector<16xi32>,
      tpu.vector_store %arg24[%swap3A_105], %add3A_104 {strides = array<i32>} : memref<384xi32, #tpu.memory_space<vmem>>, vector<16xi32>,
      %get3A_107 = arith.constant 160 : index
      %get3A_108 = tpu.vector_load %arg23[%get3A_107] {strides = array<i32>} : memref<400xi32, #tpu.memory_space<vmem>>, vector<16xi32>,
      %add3A_109 = arith.addi %get3A_108, %get3A_10 : vector<16xi32>
      %swap3A_110 = arith.constant 160 : index
      %swap3A_111 = tpu.vector_load %arg24[%swap3A_110] {strides = array<i32>} : memref<384xi32, #tpu.memory_space<vmem>>, vector<16xi32>,
      tpu.vector_store %arg24[%swap3A_110], %add3A_109 {strides = array<i32>} : memref<384xi32, #tpu.memory_space<vmem>>, vector<16xi32>,
      %get3A_112 = arith.constant 176 : index
      %get3A_113 = tpu.vector_load %arg23[%get3A_112] {strides = array<i32>} : memref<400xi32, #tpu.memory_space<vmem>>, vector<16xi32>,
      %add3A_114 = arith.addi %get3A_113, %get3A_10 : vector<16xi32>
      %swap3A_115 = arith.constant 176 : index
      %swap3A_116 = tpu.vector_load %arg24[%swap3A_115] {strides = array<i32>} : memref<384xi32, #tpu.memory_space<vmem>>, vector<16xi32>,
      tpu.vector_store %arg24[%swap3A_115], %add3A_114 {strides = array<i32>} : memref<384xi32, #tpu.memory_space<vmem>>, vector<16xi32>,
      %get3A_117 = arith.constant 192 : index
      %get3A_118 = tpu.vector_load %arg23[%get3A_117] {strides = array<i32>} : memref<400xi32, #tpu.memory_space<vmem>>, vector<16xi32>,
      %add3A_119 = arith.addi %get3A_118, %get3A_10 : vector<16xi32>
      %swap3A_120 = arith.constant 192 : index
      %swap3A_121 = tpu.vector_load %arg24[%swap3A_120] {strides = array<i32>} : memref<384xi32, #tpu.memory_space<vmem>>, vector<16xi32>,
      tpu.vector_store %arg24[%swap3A_120], %add3A_119 {strides = array<i32>} : memref<384xi32, #tpu.memory_space<vmem>>, vector<16xi32>,
      %get3A_122 = arith.constant 208 : index
      %get3A_123 = tpu.vector_load %arg23[%get3A_122] {strides = array<i32>} : memref<400xi32, #tpu.memory_space<vmem>>, vector<16xi32>,
      %add3A_124 = arith.addi %get3A_123, %get3A_10 : vector<16xi32>
      %swap3A_125 = arith.constant 208 : index
      %swap3A_126 = tpu.vector_load %arg24[%swap3A_125] {strides = array<i32>} : memref<384xi32, #tpu.memory_space<vmem>>, vector<16xi32>,
      tpu.vector_store %arg24[%swap3A_125], %add3A_124 {strides = array<i32>} : memref<384xi32, #tpu.memory_space<vmem>>, vector<16xi32>,
      %get3A_127 = arith.constant 224 : index
      %get3A_128 = tpu.vector_load %arg23[%get3A_127] {strides = array<i32>} : memref<400xi32, #tpu.memory_space<vmem>>, vector<16xi32>,
      %add3A_129 = arith.addi %get3A_128, %get3A_10 : vector<16xi32>
      %swap3A_130 = arith.constant 224 : index
      %swap3A_131 = tpu.vector_load %arg24[%swap3A_130] {strides = array<i32>} : memref<384xi32, #tpu.memory_space<vmem>>, vector<16xi32>,
      tpu.vector_store %arg24[%swap3A_130], %add3A_129 {strides = array<i32>} : memref<384xi32, #tpu.memory_space<vmem>>, vector<16xi32>,
      %get3A_132 = arith.constant 240 : index
      %get3A_133 = tpu.vector_load %arg23[%get3A_132] {strides = array<i32>} : memref<400xi32, #tpu.memory_space<vmem>>, vector<16xi32>,
      %add3A_134 = arith.addi %get3A_133, %get3A_10 : vector<16xi32>
      %swap3A_135 = arith.constant 240 : index
      %swap3A_136 = tpu.vector_load %arg24[%swap3A_135] {strides = array<i32>} : memref<384xi32, #tpu.memory_space<vmem>>, vector<16xi32>,
      tpu.vector_store %arg24[%swap3A_135], %add3A_134 {strides = array<i32>} : memref<384xi32, #tpu.memory_space<vmem>>, vector<16xi32>,
      %get3A_137 = arith.constant 256 : index
      %get3A_138 = tpu.vector_load %arg23[%get3A_137] {strides = array<i32>} : memref<400xi32, #tpu.memory_space<vmem>>, vector<16xi32>,
      %add3A_139 = arith.addi %get3A_138, %get3A_10 : vector<16xi32>
      %swap3A_140 = arith.constant 256 : index
      %swap3A_141 = tpu.vector_load %arg24[%swap3A_140] {strides = array<i32>} : memref<384xi32, #tpu.memory_space<vmem>>, vector<16xi32>,
      tpu.vector_store %arg24[%swap3A_140], %add3A_139 {strides = array<i32>} : memref<384xi32, #tpu.memory_space<vmem>>, vector<16xi32>,
      %get3A_142 = arith.constant 272 : index
      %get3A_143 = tpu.vector_load %arg23[%get3A_142] {strides = array<i32>} : memref<400xi32, #tpu.memory_space<vmem>>, vector<16xi32>,
      %add3A_144 = arith.addi %get3A_143, %get3A_10 : vector<16xi32>
      %swap3A_145 = arith.constant 272 : index
      %swap3A_146 = tpu.vector_load %arg24[%swap3A_145] {strides = array<i32>} : memref<384xi32, #tpu.memory_space<vmem>>, vector<16xi32>,
      tpu.vector_store %arg24[%swap3A_145], %add3A_144 {strides = array<i32>} : memref<384xi32, #tpu.memory_space<vmem>>, vector<16xi32>,
      %get3A_147 = arith.constant 288 : index
      %get3A_148 = tpu.vector_load %arg23[%get3A_147] {strides = array<i32>} : memref<400xi32, #tpu.memory_space<vmem>>, vector<16xi32>,
      %add3A_149 = arith.addi %get3A_148, %get3A_10 : vector<16xi32>
      %swap3A_150 = arith.constant 288 : index
      %swap3A_151 = tpu.vector_load %arg24[%swap3A_150] {strides = array<i32>} : memref<384xi32, #tpu.memory_space<vmem>>, vector<16xi32>,
      tpu.vector_store %arg24[%swap3A_150], %add3A_149 {strides = array<i32>} : memref<384xi32, #tpu.memory_space<vmem>>, vector<16xi32>,
      %get3A_152 = arith.constant 304 : index
      %get3A_153 = tpu.vector_load %arg23[%get3A_152] {strides = array<i32>} : memref<400xi32, #tpu.memory_space<vmem>>, vector<16xi32>,
      %add3A_154 = arith.addi %get3A_153, %get3A_10 : vector<16xi32>
      %swap3A_155 = arith.constant 304 : index
      %swap3A_156 = tpu.vector_load %arg24[%swap3A_155] {strides = array<i32>} : memref<384xi32, #tpu.memory_space<vmem>>, vector<16xi32>,
      tpu.vector_store %arg24[%swap3A_155], %add3A_154 {strides = array<i32>} : memref<384xi32, #tpu.memory_space<vmem>>, vector<16xi32>,
      %get3A_157 = arith.constant 320 : index
      %get3A_158 = tpu.vector_load %arg23[%get3A_157] {strides = array<i32>} : memref<400xi32, #tpu.memory_space<vmem>>, vector<16xi32>,
      %add3A_159 = arith.addi %get3A_158, %get3A_10 : vector<16xi32>
      %swap3A_160 = arith.constant 320 : index
      %swap3A_161 = tpu.vector_load %arg24[%swap3A_160] {strides = array<i32>} : memref<384xi32, #tpu.memory_space<vmem>>, vector<16xi32>,
      tpu.vector_store %arg24[%swap3A_160], %add3A_159 {strides = array<i32>} : memref<384xi32, #tpu.memory_space<vmem>>, vector<16xi32>,
      %get3A_162 = arith.constant 336 : index
      %get3A_163 = tpu.vector_load %arg23[%get3A_162] {strides = array<i32>} : memref<400xi32, #tpu.memory_space<vmem>>, vector<16xi32>,
      %add3A_164 = arith.addi %get3A_163, %get3A_10 : vector<16xi32>
      %swap3A_165 = arith.constant 336 : index
      %swap3A_166 = tpu.vector_load %arg24[%swap3A_165] {strides = array<i32>} : memref<384xi32, #tpu.memory_space<vmem>>, vector<16xi32>,
      tpu.vector_store %arg24[%swap3A_165], %add3A_164 {strides = array<i32>} : memref<384xi32, #tpu.memory_space<vmem>>, vector<16xi32>,
      %get3A_167 = arith.constant 352 : index
      %get3A_168 = tpu.vector_load %arg23[%get3A_167] {strides = array<i32>} : memref<400xi32, #tpu.memory_space<vmem>>, vector<16xi32>,
      %add3A_169 = arith.addi %get3A_168, %get3A_10 : vector<16xi32>
      %swap3A_170 = arith.constant 352 : index
      %swap3A_171 = tpu.vector_load %arg24[%swap3A_170] {strides = array<i32>} : memref<384xi32, #tpu.memory_space<vmem>>, vector<16xi32>,
      tpu.vector_store %arg24[%swap3A_170], %add3A_169 {strides = array<i32>} : memref<384xi32, #tpu.memory_space<vmem>>, vector<16xi32>,
      %get3A_172 = arith.constant 368 : index
      %get3A_173 = tpu.vector_load %arg23[%get3A_172] {strides = array<i32>} : memref<400xi32, #tpu.memory_space<vmem>>, vector<16xi32>,
      %add3A_174 = arith.addi %get3A_173, %get3A_10 : vector<16xi32>
      %swap3A_175 = arith.constant 368 : index
      %swap3A_176 = tpu.vector_load %arg24[%swap3A_175] {strides = array<i32>} : memref<384xi32, #tpu.memory_space<vmem>>, vector<16xi32>,
      tpu.vector_store %arg24[%swap3A_175], %add3A_174 {strides = array<i32>} : memref<384xi32, #tpu.memory_space<vmem>>, vector<16xi32>,
      %dma_start3A = arith.constant 0 : i32
      %dma_start3A_177 = tpu.memref_slice %arg3[%dma_start3A] : memref<81920xi32, #tpu.memory_space<hbm>> -> memref<81920xi32, #tpu.memory_space<hbm>>
      tpu.enqueue_indirect_dma source(%dma_start3A_177 : memref<81920xi32, #tpu.memory_space<hbm>>) target(%arg25 : memref<384xi32, #tpu.memory_space<vmem>>) offsets(%arg24 : memref<384xi32, #tpu.memory_space<vmem>>) semaphore(%arg30 : memref<!tpu.dma_semaphore, #tpu.memory_space<semaphore_mem>>)
      %dma_wait3A = arith.constant 0 : i32
      %dma_wait3A_178 = tpu.memref_slice %arg3[%dma_wait3A] : memref<81920xi32, #tpu.memory_space<hbm>> -> memref<81920xi32, #tpu.memory_space<hbm>>
      tpu.wait_indirect_dma semaphore(%arg30 : memref<!tpu.dma_semaphore, #tpu.memory_space<semaphore_mem>>) src(%dma_wait3A_178 : memref<81920xi32, #tpu.memory_space<hbm>>) dst(%arg25 : memref<384xi32, #tpu.memory_space<vmem>>)
      %dma_start3A_179 = arith.constant 0 : i32
      %dma_start3A_180 = tpu.memref_slice %arg4[%dma_start3A_179] : memref<81920xf32, #tpu.memory_space<hbm>> -> memref<81920xf32, #tpu.memory_space<hbm>>
      tpu.enqueue_indirect_dma source(%dma_start3A_180 : memref<81920xf32, #tpu.memory_space<hbm>>) target(%arg26 : memref<384xf32, #tpu.memory_space<vmem>>) offsets(%arg24 : memref<384xi32, #tpu.memory_space<vmem>>) semaphore(%arg30 : memref<!tpu.dma_semaphore, #tpu.memory_space<semaphore_mem>>)
      %dma_wait3A_181 = arith.constant 0 : i32
      %dma_wait3A_182 = tpu.memref_slice %arg4[%dma_wait3A_181] : memref<81920xf32, #tpu.memory_space<hbm>> -> memref<81920xf32, #tpu.memory_space<hbm>>
      tpu.wait_indirect_dma semaphore(%arg30 : memref<!tpu.dma_semaphore, #tpu.memory_space<semaphore_mem>>) src(%dma_wait3A_182 : memref<81920xf32, #tpu.memory_space<hbm>>) dst(%arg26 : memref<384xf32, #tpu.memory_space<vmem>>)
      %dma_start3A_183 = arith.constant 0 : i32
      %dma_start3A_184 = tpu.memref_slice %arg5[%dma_start3A_183] : memref<81920xf32, #tpu.memory_space<hbm>> -> memref<81920xf32, #tpu.memory_space<hbm>>
      tpu.enqueue_indirect_dma source(%dma_start3A_184 : memref<81920xf32, #tpu.memory_space<hbm>>) target(%arg27 : memref<384xf32, #tpu.memory_space<vmem>>) offsets(%arg24 : memref<384xi32, #tpu.memory_space<vmem>>) semaphore(%arg30 : memref<!tpu.dma_semaphore, #tpu.memory_space<semaphore_mem>>)
      %dma_wait3A_185 = arith.constant 0 : i32
      %dma_wait3A_186 = tpu.memref_slice %arg5[%dma_wait3A_185] : memref<81920xf32, #tpu.memory_space<hbm>> -> memref<81920xf32, #tpu.memory_space<hbm>>
      tpu.wait_indirect_dma semaphore(%arg30 : memref<!tpu.dma_semaphore, #tpu.memory_space<semaphore_mem>>) src(%dma_wait3A_186 : memref<81920xf32, #tpu.memory_space<hbm>>) dst(%arg27 : memref<384xf32, #tpu.memory_space<vmem>>)
      %dma_start3A_187 = arith.constant 0 : i32
      %dma_start3A_188 = tpu.memref_slice %arg6[%dma_start3A_187] : memref<81920xf32, #tpu.memory_space<hbm>> -> memref<81920xf32, #tpu.memory_space<hbm>>
      tpu.enqueue_indirect_dma source(%dma_start3A_188 : memref<81920xf32, #tpu.memory_space<hbm>>) target(%arg28 : memref<384xf32, #tpu.memory_space<vmem>>) offsets(%arg24 : memref<384xi32, #tpu.memory_space<vmem>>) semaphore(%arg30 : memref<!tpu.dma_semaphore, #tpu.memory_space<semaphore_mem>>)
      %dma_wait3A_189 = arith.constant 0 : i32
      %dma_wait3A_190 = tpu.memref_slice %arg6[%dma_wait3A_189] : memref<81920xf32, #tpu.memory_space<hbm>> -> memref<81920xf32, #tpu.memory_space<hbm>>
      tpu.wait_indirect_dma semaphore(%arg30 : memref<!tpu.dma_semaphore, #tpu.memory_space<semaphore_mem>>) src(%dma_wait3A_190 : memref<81920xf32, #tpu.memory_space<hbm>>) dst(%arg28 : memref<384xf32, #tpu.memory_space<vmem>>)
      %dma_start3A_191 = arith.constant 0 : i32
      %dma_start3A_192 = tpu.memref_slice %arg7[%dma_start3A_191] : memref<81920xf32, #tpu.memory_space<hbm>> -> memref<81920xf32, #tpu.memory_space<hbm>>
      tpu.enqueue_indirect_dma source(%dma_start3A_192 : memref<81920xf32, #tpu.memory_space<hbm>>) target(%arg29 : memref<384xf32, #tpu.memory_space<vmem>>) offsets(%arg24 : memref<384xi32, #tpu.memory_space<vmem>>) semaphore(%arg30 : memref<!tpu.dma_semaphore, #tpu.memory_space<semaphore_mem>>)
      %dma_wait3A_193 = arith.constant 0 : i32
      %dma_wait3A_194 = tpu.memref_slice %arg7[%dma_wait3A_193] : memref<81920xf32, #tpu.memory_space<hbm>> -> memref<81920xf32, #tpu.memory_space<hbm>>
      tpu.wait_indirect_dma semaphore(%arg30 : memref<!tpu.dma_semaphore, #tpu.memory_space<semaphore_mem>>) src(%dma_wait3A_194 : memref<81920xf32, #tpu.memory_space<hbm>>) dst(%arg29 : memref<384xf32, #tpu.memory_space<vmem>>)
      "tpu.region"() ({
        %run_scoped3A = tpu.sem_alloc : memref<!tpu.dma_semaphore, #tpu.memory_space<semaphore_mem>>
        %dma_start3A_195 = arith.constant 0 : i32
        %dma_start3A_196 = tpu.memref_slice %arg22[%dma_start3A_195] : memref<400xi32, #tpu.memory_space<vmem>> -> memref<384xi32, #tpu.memory_space<vmem>>
        %dma_start3A_197 = arith.constant 0 : i32
        %dma_start3A_198 = tpu.memref_slice %arg11[%add3A, %dma_start3A_197] : memref<16x384xi32, #tpu.memory_space<hbm>> -> memref<1x384xi32, #tpu.memory_space<hbm>>
        %dma_start3A_199 = tpu.memref_squeeze %dma_start3A_198 : memref<1x384xi32, #tpu.memory_space<hbm>> -> memref<384xi32, #tpu.memory_space<hbm>>
        %dma_start3A_200 = arith.constant 0 : i32
        %dma_start3A_201 = tpu.memref_slice %arg11[%add3A, %dma_start3A_200] : memref<16x384xi32, #tpu.memory_space<hbm>> -> memref<1x384xi32, #tpu.memory_space<hbm>>
        %dma_start3A_202 = tpu.memref_squeeze %dma_start3A_201 : memref<1x384xi32, #tpu.memory_space<hbm>> -> memref<384xi32, #tpu.memory_space<hbm>>
        %dma_start3A_203 = arith.constant 0 : i32
        %dma_start3A_204 = tpu.memref_slice %arg22[%dma_start3A_203] : memref<400xi32, #tpu.memory_space<vmem>> -> memref<384xi32, #tpu.memory_space<vmem>>
        tpu.enqueue_dma source(%dma_start3A_204 : memref<384xi32, #tpu.memory_space<vmem>>) target(%dma_start3A_202 : memref<384xi32, #tpu.memory_space<hbm>>) target_semaphore(%run_scoped3A : memref<!tpu.dma_semaphore, #tpu.memory_space<semaphore_mem>>)
        %dma_wait3A_205 = arith.constant 0 : i32
        %dma_wait3A_206 = tpu.memref_slice %arg22[%dma_wait3A_205] : memref<400xi32, #tpu.memory_space<vmem>> -> memref<384xi32, #tpu.memory_space<vmem>>
        %dma_wait3A_207 = arith.constant 0 : i32
        %dma_wait3A_208 = tpu.memref_slice %arg11[%add3A, %dma_wait3A_207] : memref<16x384xi32, #tpu.memory_space<hbm>> -> memref<1x384xi32, #tpu.memory_space<hbm>>
        %dma_wait3A_209 = tpu.memref_squeeze %dma_wait3A_208 : memref<1x384xi32, #tpu.memory_space<hbm>> -> memref<384xi32, #tpu.memory_space<hbm>>
        %dma_wait3A_210 = arith.constant 0 : i32
        %dma_wait3A_211 = tpu.memref_slice %arg11[%add3A, %dma_wait3A_210] : memref<16x384xi32, #tpu.memory_space<hbm>> -> memref<1x384xi32, #tpu.memory_space<hbm>>
        %dma_wait3A_212 = tpu.memref_squeeze %dma_wait3A_211 : memref<1x384xi32, #tpu.memory_space<hbm>> -> memref<384xi32, #tpu.memory_space<hbm>>
        %dma_wait3A_213 = arith.constant 0 : i32
        %dma_wait3A_214 = tpu.memref_slice %arg22[%dma_wait3A_213] : memref<400xi32, #tpu.memory_space<vmem>> -> memref<384xi32, #tpu.memory_space<vmem>>
        tpu.wait_dma2 semaphore(%run_scoped3A : memref<!tpu.dma_semaphore, #tpu.memory_space<semaphore_mem>>) src(%dma_wait3A_214 : memref<384xi32, #tpu.memory_space<vmem>>) dst(%dma_wait3A_212 : memref<384xi32, #tpu.memory_space<hbm>>)
        tpu.yield
      }) : () -> ()
      "tpu.region"() ({
        %run_scoped3A = tpu.sem_alloc : memref<!tpu.dma_semaphore, #tpu.memory_space<semaphore_mem>>
        %dma_start3A_195 = arith.constant 0 : i32
        %dma_start3A_196 = tpu.memref_slice %arg23[%dma_start3A_195] : memref<400xi32, #tpu.memory_space<vmem>> -> memref<384xi32, #tpu.memory_space<vmem>>
        %dma_start3A_197 = arith.constant 0 : i32
        %dma_start3A_198 = tpu.memref_slice %arg12[%add3A, %dma_start3A_197] : memref<16x384xi32, #tpu.memory_space<hbm>> -> memref<1x384xi32, #tpu.memory_space<hbm>>
        %dma_start3A_199 = tpu.memref_squeeze %dma_start3A_198 : memref<1x384xi32, #tpu.memory_space<hbm>> -> memref<384xi32, #tpu.memory_space<hbm>>
        %dma_start3A_200 = arith.constant 0 : i32
        %dma_start3A_201 = tpu.memref_slice %arg12[%add3A, %dma_start3A_200] : memref<16x384xi32, #tpu.memory_space<hbm>> -> memref<1x384xi32, #tpu.memory_space<hbm>>
        %dma_start3A_202 = tpu.memref_squeeze %dma_start3A_201 : memref<1x384xi32, #tpu.memory_space<hbm>> -> memref<384xi32, #tpu.memory_space<hbm>>
        %dma_start3A_203 = arith.constant 0 : i32
        %dma_start3A_204 = tpu.memref_slice %arg23[%dma_start3A_203] : memref<400xi32, #tpu.memory_space<vmem>> -> memref<384xi32, #tpu.memory_space<vmem>>
        tpu.enqueue_dma source(%dma_start3A_204 : memref<384xi32, #tpu.memory_space<vmem>>) target(%dma_start3A_202 : memref<384xi32, #tpu.memory_space<hbm>>) target_semaphore(%run_scoped3A : memref<!tpu.dma_semaphore, #tpu.memory_space<semaphore_mem>>)
        %dma_wait3A_205 = arith.constant 0 : i32
        %dma_wait3A_206 = tpu.memref_slice %arg23[%dma_wait3A_205] : memref<400xi32, #tpu.memory_space<vmem>> -> memref<384xi32, #tpu.memory_space<vmem>>
        %dma_wait3A_207 = arith.constant 0 : i32
        %dma_wait3A_208 = tpu.memref_slice %arg12[%add3A, %dma_wait3A_207] : memref<16x384xi32, #tpu.memory_space<hbm>> -> memref<1x384xi32, #tpu.memory_space<hbm>>
        %dma_wait3A_209 = tpu.memref_squeeze %dma_wait3A_208 : memref<1x384xi32, #tpu.memory_space<hbm>> -> memref<384xi32, #tpu.memory_space<hbm>>
        %dma_wait3A_210 = arith.constant 0 : i32
        %dma_wait3A_211 = tpu.memref_slice %arg12[%add3A, %dma_wait3A_210] : memref<16x384xi32, #tpu.memory_space<hbm>> -> memref<1x384xi32, #tpu.memory_space<hbm>>
        %dma_wait3A_212 = tpu.memref_squeeze %dma_wait3A_211 : memref<1x384xi32, #tpu.memory_space<hbm>> -> memref<384xi32, #tpu.memory_space<hbm>>
        %dma_wait3A_213 = arith.constant 0 : i32
        %dma_wait3A_214 = tpu.memref_slice %arg23[%dma_wait3A_213] : memref<400xi32, #tpu.memory_space<vmem>> -> memref<384xi32, #tpu.memory_space<vmem>>
        tpu.wait_dma2 semaphore(%run_scoped3A : memref<!tpu.dma_semaphore, #tpu.memory_space<semaphore_mem>>) src(%dma_wait3A_214 : memref<384xi32, #tpu.memory_space<vmem>>) dst(%dma_wait3A_212 : memref<384xi32, #tpu.memory_space<hbm>>)
        tpu.yield
      }) : () -> ()
      "tpu.region"() ({
        %run_scoped3A = tpu.sem_alloc : memref<!tpu.dma_semaphore, #tpu.memory_space<semaphore_mem>>
        %dma_start3A_195 = arith.constant 0 : i32
        %dma_start3A_196 = tpu.memref_slice %arg13[%add3A, %dma_start3A_195] : memref<16x384xi32, #tpu.memory_space<hbm>> -> memref<1x384xi32, #tpu.memory_space<hbm>>
        %dma_start3A_197 = tpu.memref_squeeze %dma_start3A_196 : memref<1x384xi32, #tpu.memory_space<hbm>> -> memref<384xi32, #tpu.memory_space<hbm>>
        %dma_start3A_198 = arith.constant 0 : i32
        %dma_start3A_199 = tpu.memref_slice %arg13[%add3A, %dma_start3A_198] : memref<16x384xi32, #tpu.memory_space<hbm>> -> memref<1x384xi32, #tpu.memory_space<hbm>>
        %dma_start3A_200 = tpu.memref_squeeze %dma_start3A_199 : memref<1x384xi32, #tpu.memory_space<hbm>> -> memref<384xi32, #tpu.memory_space<hbm>>
        tpu.enqueue_dma source(%arg25 : memref<384xi32, #tpu.memory_space<vmem>>) target(%dma_start3A_200 : memref<384xi32, #tpu.memory_space<hbm>>) target_semaphore(%run_scoped3A : memref<!tpu.dma_semaphore, #tpu.memory_space<semaphore_mem>>)
        %dma_wait3A_201 = arith.constant 0 : i32
        %dma_wait3A_202 = tpu.memref_slice %arg13[%add3A, %dma_wait3A_201] : memref<16x384xi32, #tpu.memory_space<hbm>> -> memref<1x384xi32, #tpu.memory_space<hbm>>
        %dma_wait3A_203 = tpu.memref_squeeze %dma_wait3A_202 : memref<1x384xi32, #tpu.memory_space<hbm>> -> memref<384xi32, #tpu.memory_space<hbm>>
        %dma_wait3A_204 = arith.constant 0 : i32
        %dma_wait3A_205 = tpu.memref_slice %arg13[%add3A, %dma_wait3A_204] : memref<16x384xi32, #tpu.memory_space<hbm>> -> memref<1x384xi32, #tpu.memory_space<hbm>>
        %dma_wait3A_206 = tpu.memref_squeeze %dma_wait3A_205 : memref<1x384xi32, #tpu.memory_space<hbm>> -> memref<384xi32, #tpu.memory_space<hbm>>
        tpu.wait_dma2 semaphore(%run_scoped3A : memref<!tpu.dma_semaphore, #tpu.memory_space<semaphore_mem>>) src(%arg25 : memref<384xi32, #tpu.memory_space<vmem>>) dst(%dma_wait3A_206 : memref<384xi32, #tpu.memory_space<hbm>>)
        tpu.yield
      }) : () -> ()
      "tpu.region"() ({
        %run_scoped3A = tpu.sem_alloc : memref<!tpu.dma_semaphore, #tpu.memory_space<semaphore_mem>>
        %dma_start3A_195 = arith.constant 0 : i32
        %dma_start3A_196 = tpu.memref_slice %arg14[%add3A, %dma_start3A_195] : memref<16x384xf32, #tpu.memory_space<hbm>> -> memref<1x384xf32, #tpu.memory_space<hbm>>
        %dma_start3A_197 = tpu.memref_squeeze %dma_start3A_196 : memref<1x384xf32, #tpu.memory_space<hbm>> -> memref<384xf32, #tpu.memory_space<hbm>>
        %dma_start3A_198 = arith.constant 0 : i32
        %dma_start3A_199 = tpu.memref_slice %arg14[%add3A, %dma_start3A_198] : memref<16x384xf32, #tpu.memory_space<hbm>> -> memref<1x384xf32, #tpu.memory_space<hbm>>
        %dma_start3A_200 = tpu.memref_squeeze %dma_start3A_199 : memref<1x384xf32, #tpu.memory_space<hbm>> -> memref<384xf32, #tpu.memory_space<hbm>>
        tpu.enqueue_dma source(%arg26 : memref<384xf32, #tpu.memory_space<vmem>>) target(%dma_start3A_200 : memref<384xf32, #tpu.memory_space<hbm>>) target_semaphore(%run_scoped3A : memref<!tpu.dma_semaphore, #tpu.memory_space<semaphore_mem>>)
        %dma_wait3A_201 = arith.constant 0 : i32
        %dma_wait3A_202 = tpu.memref_slice %arg14[%add3A, %dma_wait3A_201] : memref<16x384xf32, #tpu.memory_space<hbm>> -> memref<1x384xf32, #tpu.memory_space<hbm>>
        %dma_wait3A_203 = tpu.memref_squeeze %dma_wait3A_202 : memref<1x384xf32, #tpu.memory_space<hbm>> -> memref<384xf32, #tpu.memory_space<hbm>>
        %dma_wait3A_204 = arith.constant 0 : i32
        %dma_wait3A_205 = tpu.memref_slice %arg14[%add3A, %dma_wait3A_204] : memref<16x384xf32, #tpu.memory_space<hbm>> -> memref<1x384xf32, #tpu.memory_space<hbm>>
        %dma_wait3A_206 = tpu.memref_squeeze %dma_wait3A_205 : memref<1x384xf32, #tpu.memory_space<hbm>> -> memref<384xf32, #tpu.memory_space<hbm>>
        tpu.wait_dma2 semaphore(%run_scoped3A : memref<!tpu.dma_semaphore, #tpu.memory_space<semaphore_mem>>) src(%arg26 : memref<384xf32, #tpu.memory_space<vmem>>) dst(%dma_wait3A_206 : memref<384xf32, #tpu.memory_space<hbm>>)
        tpu.yield
      }) : () -> ()
      "tpu.region"() ({
        %run_scoped3A = tpu.sem_alloc : memref<!tpu.dma_semaphore, #tpu.memory_space<semaphore_mem>>
        %dma_start3A_195 = arith.constant 0 : i32
        %dma_start3A_196 = tpu.memref_slice %arg15[%add3A, %dma_start3A_195] : memref<16x384xf32, #tpu.memory_space<hbm>> -> memref<1x384xf32, #tpu.memory_space<hbm>>
        %dma_start3A_197 = tpu.memref_squeeze %dma_start3A_196 : memref<1x384xf32, #tpu.memory_space<hbm>> -> memref<384xf32, #tpu.memory_space<hbm>>
        %dma_start3A_198 = arith.constant 0 : i32
        %dma_start3A_199 = tpu.memref_slice %arg15[%add3A, %dma_start3A_198] : memref<16x384xf32, #tpu.memory_space<hbm>> -> memref<1x384xf32, #tpu.memory_space<hbm>>
        %dma_start3A_200 = tpu.memref_squeeze %dma_start3A_199 : memref<1x384xf32, #tpu.memory_space<hbm>> -> memref<384xf32, #tpu.memory_space<hbm>>
        tpu.enqueue_dma source(%arg27 : memref<384xf32, #tpu.memory_space<vmem>>) target(%dma_start3A_200 : memref<384xf32, #tpu.memory_space<hbm>>) target_semaphore(%run_scoped3A : memref<!tpu.dma_semaphore, #tpu.memory_space<semaphore_mem>>)
        %dma_wait3A_201 = arith.constant 0 : i32
        %dma_wait3A_202 = tpu.memref_slice %arg15[%add3A, %dma_wait3A_201] : memref<16x384xf32, #tpu.memory_space<hbm>> -> memref<1x384xf32, #tpu.memory_space<hbm>>
        %dma_wait3A_203 = tpu.memref_squeeze %dma_wait3A_202 : memref<1x384xf32, #tpu.memory_space<hbm>> -> memref<384xf32, #tpu.memory_space<hbm>>
        %dma_wait3A_204 = arith.constant 0 : i32
        %dma_wait3A_205 = tpu.memref_slice %arg15[%add3A, %dma_wait3A_204] : memref<16x384xf32, #tpu.memory_space<hbm>> -> memref<1x384xf32, #tpu.memory_space<hbm>>
        %dma_wait3A_206 = tpu.memref_squeeze %dma_wait3A_205 : memref<1x384xf32, #tpu.memory_space<hbm>> -> memref<384xf32, #tpu.memory_space<hbm>>
        tpu.wait_dma2 semaphore(%run_scoped3A : memref<!tpu.dma_semaphore, #tpu.memory_space<semaphore_mem>>) src(%arg27 : memref<384xf32, #tpu.memory_space<vmem>>) dst(%dma_wait3A_206 : memref<384xf32, #tpu.memory_space<hbm>>)
        tpu.yield
      }) : () -> ()
      "tpu.region"() ({
        %run_scoped3A = tpu.sem_alloc : memref<!tpu.dma_semaphore, #tpu.memory_space<semaphore_mem>>
        %dma_start3A_195 = arith.constant 0 : i32
        %dma_start3A_196 = tpu.memref_slice %arg16[%add3A, %dma_start3A_195] : memref<16x384xf32, #tpu.memory_space<hbm>> -> memref<1x384xf32, #tpu.memory_space<hbm>>
        %dma_start3A_197 = tpu.memref_squeeze %dma_start3A_196 : memref<1x384xf32, #tpu.memory_space<hbm>> -> memref<384xf32, #tpu.memory_space<hbm>>
        %dma_start3A_198 = arith.constant 0 : i32
        %dma_start3A_199 = tpu.memref_slice %arg16[%add3A, %dma_start3A_198] : memref<16x384xf32, #tpu.memory_space<hbm>> -> memref<1x384xf32, #tpu.memory_space<hbm>>
        %dma_start3A_200 = tpu.memref_squeeze %dma_start3A_199 : memref<1x384xf32, #tpu.memory_space<hbm>> -> memref<384xf32, #tpu.memory_space<hbm>>
        tpu.enqueue_dma source(%arg28 : memref<384xf32, #tpu.memory_space<vmem>>) target(%dma_start3A_200 : memref<384xf32, #tpu.memory_space<hbm>>) target_semaphore(%run_scoped3A : memref<!tpu.dma_semaphore, #tpu.memory_space<semaphore_mem>>)
        %dma_wait3A_201 = arith.constant 0 : i32
        %dma_wait3A_202 = tpu.memref_slice %arg16[%add3A, %dma_wait3A_201] : memref<16x384xf32, #tpu.memory_space<hbm>> -> memref<1x384xf32, #tpu.memory_space<hbm>>
        %dma_wait3A_203 = tpu.memref_squeeze %dma_wait3A_202 : memref<1x384xf32, #tpu.memory_space<hbm>> -> memref<384xf32, #tpu.memory_space<hbm>>
        %dma_wait3A_204 = arith.constant 0 : i32
        %dma_wait3A_205 = tpu.memref_slice %arg16[%add3A, %dma_wait3A_204] : memref<16x384xf32, #tpu.memory_space<hbm>> -> memref<1x384xf32, #tpu.memory_space<hbm>>
        %dma_wait3A_206 = tpu.memref_squeeze %dma_wait3A_205 : memref<1x384xf32, #tpu.memory_space<hbm>> -> memref<384xf32, #tpu.memory_space<hbm>>
        tpu.wait_dma2 semaphore(%run_scoped3A : memref<!tpu.dma_semaphore, #tpu.memory_space<semaphore_mem>>) src(%arg28 : memref<384xf32, #tpu.memory_space<vmem>>) dst(%dma_wait3A_206 : memref<384xf32, #tpu.memory_space<hbm>>)
        tpu.yield
      }) : () -> ()
      "tpu.region"() ({
        %run_scoped3A = tpu.sem_alloc : memref<!tpu.dma_semaphore, #tpu.memory_space<semaphore_mem>>
        %dma_start3A_195 = arith.constant 0 : i32
        %dma_start3A_196 = tpu.memref_slice %arg17[%add3A, %dma_start3A_195] : memref<16x384xf32, #tpu.memory_space<hbm>> -> memref<1x384xf32, #tpu.memory_space<hbm>>
        %dma_start3A_197 = tpu.memref_squeeze %dma_start3A_196 : memref<1x384xf32, #tpu.memory_space<hbm>> -> memref<384xf32, #tpu.memory_space<hbm>>
        %dma_start3A_198 = arith.constant 0 : i32
        %dma_start3A_199 = tpu.memref_slice %arg17[%add3A, %dma_start3A_198] : memref<16x384xf32, #tpu.memory_space<hbm>> -> memref<1x384xf32, #tpu.memory_space<hbm>>
        %dma_start3A_200 = tpu.memref_squeeze %dma_start3A_199 : memref<1x384xf32, #tpu.memory_space<hbm>> -> memref<384xf32, #tpu.memory_space<hbm>>
        tpu.enqueue_dma source(%arg29 : memref<384xf32, #tpu.memory_space<vmem>>) target(%dma_start3A_200 : memref<384xf32, #tpu.memory_space<hbm>>) target_semaphore(%run_scoped3A : memref<!tpu.dma_semaphore, #tpu.memory_space<semaphore_mem>>)
        %dma_wait3A_201 = arith.constant 0 : i32
        %dma_wait3A_202 = tpu.memref_slice %arg17[%add3A, %dma_wait3A_201] : memref<16x384xf32, #tpu.memory_space<hbm>> -> memref<1x384xf32, #tpu.memory_space<hbm>>
        %dma_wait3A_203 = tpu.memref_squeeze %dma_wait3A_202 : memref<1x384xf32, #tpu.memory_space<hbm>> -> memref<384xf32, #tpu.memory_space<hbm>>
        %dma_wait3A_204 = arith.constant 0 : i32
        %dma_wait3A_205 = tpu.memref_slice %arg17[%add3A, %dma_wait3A_204] : memref<16x384xf32, #tpu.memory_space<hbm>> -> memref<1x384xf32, #tpu.memory_space<hbm>>
        %dma_wait3A_206 = tpu.memref_squeeze %dma_wait3A_205 : memref<1x384xf32, #tpu.memory_space<hbm>> -> memref<384xf32, #tpu.memory_space<hbm>>
        tpu.wait_dma2 semaphore(%run_scoped3A : memref<!tpu.dma_semaphore, #tpu.memory_space<semaphore_mem>>) src(%arg29 : memref<384xf32, #tpu.memory_space<vmem>>) dst(%dma_wait3A_206 : memref<384xf32, #tpu.memory_space<hbm>>)
        tpu.yield
      }) : () -> ()
    } else {
    }
    return
  }
}

module attributes {stable_mosaic.version = 14 : i64} {
  func.func @_dense_kernel(%arg0: i32, %arg1: memref<1x80x5000xf32, #tpu.memory_space<vmem>>, %arg2: memref<16x5120xi32, #tpu.memory_space<vmem>>, %arg3: memref<16x5120xi32, #tpu.memory_space<vmem>>, %arg4: memref<16x128xi32, #tpu.memory_space<vmem>>, %arg5: memref<16x128xi32, #tpu.memory_space<vmem>>) attributes {dimension_semantics = [#tpu.dimension_semantics<arbitrary>], iteration_bounds = array<i64: 16>, scalar_prefetch = 0 : i64, scratch_operands = 0 : i64, tpu.core_type = #tpu.core_type<tc>, window_params = [{transform_indices = @transform_0, window_bounds = array<i64: 1, 80, 5000>}, {pipeline_mode = #tpu.pipeline_mode<synchronous>, transform_indices = @transform_1, window_bounds = array<i64: 16, 5120>}, {pipeline_mode = #tpu.pipeline_mode<synchronous>, transform_indices = @transform_2, window_bounds = array<i64: 16, 5120>}, {pipeline_mode = #tpu.pipeline_mode<synchronous>, transform_indices = @transform_3, window_bounds = array<i64: 16, 128>}, {pipeline_mode = #tpu.pipeline_mode<synchronous>, transform_indices = @transform_4, window_bounds = array<i64: 16, 128>}]} {
    %get3A = arith.constant 0 : index
    %get3A_0 = arith.constant 0 : index
    %get3A_1 = arith.constant 0 : index
    %get3A_2 = vector.load %arg1[%get3A, %get3A_0, %get3A_1] : memref<1x80x5000xf32, #tpu.memory_space<vmem>>, vector<1x80x5000xf32>
    %get3A_3 = vector.shape_cast %get3A_2 : vector<1x80x5000xf32> to vector<80x5000xf32>
    %neg3A = arith.constant 0.000000e+00 : f32
    %neg3A_4 = vector.broadcast %neg3A : f32 to vector<80x5000xf32>
    %neg3A_5 = arith.subf %neg3A_4, %get3A_3 : vector<80x5000xf32>
    %exp3A = math.exp %neg3A_5 : vector<80x5000xf32>
    %add3A = arith.constant 1.000000e+00 : f32
    %add3A_6 = vector.broadcast %add3A : f32 to vector<80x5000xf32>
    %add3A_7 = arith.addf %add3A_6, %exp3A : vector<80x5000xf32>
    %div3A = arith.constant 1.000000e+00 : f32
    %div3A_8 = vector.broadcast %div3A : f32 to vector<80x5000xf32>
    %div3A_9 = arith.divf %div3A_8, %add3A_7 : vector<80x5000xf32>
    %reduce_max3A = arith.constant dense<0xFF800000> : vector<5000xf32>
    %reduce_max3A_10 = vector.multi_reduction <maximumf>, %div3A_9, %reduce_max3A [0] : vector<80x5000xf32> to vector<5000xf32>
    %iota3A = tpu.iota {dimensions = array<i32: 0>} : vector<80x5000xi32>
    %broadcast_in_dim3A = vector.shape_cast %reduce_max3A_10 : vector<5000xf32> to vector<1x5000xf32>
    %eq3A = vector.broadcast %broadcast_in_dim3A : vector<1x5000xf32> to vector<80x5000xf32>
    %eq3A_11 = arith.cmpf oeq, %div3A_9, %eq3A : vector<80x5000xf32>
    %jit3A = arith.constant 80 : i32
    %broadcast_in_dim3A_12 = vector.broadcast %jit3A : i32 to vector<80x5000xi32>
    %select_n3A = arith.select %eq3A_11, %iota3A, %broadcast_in_dim3A_12 : vector<80x5000xi1>, vector<80x5000xi32>
    %reduce_min3A = arith.constant dense<2147483647> : vector<5000xi32>
    %reduce_min3A_13 = vector.multi_reduction <minsi>, %select_n3A, %reduce_min3A [0] : vector<80x5000xi32> to vector<5000xi32>
    %broadcast_in_dim3A_14 = arith.constant 0 : i32
    %broadcast_in_dim3A_15 = vector.broadcast %broadcast_in_dim3A_14 : i32 to vector<120xi32>
    %bitcast_convert_type3A = tpu.bitcast %reduce_max3A_10 : vector<5000xf32> -> vector<5000xi32>
    %concatenate3A = tpu.concatenate %bitcast_convert_type3A, %broadcast_in_dim3A_15 in 0 : vector<5000xi32>, vector<120xi32> -> vector<5120xi32>
    %broadcast_in_dim3A_16 = vector.shape_cast %concatenate3A : vector<5120xi32> to vector<1x5120xi32>
    %swap3A = arith.index_cast %arg0 : i32 to index
    %swap3A_17 = arith.constant 0 : index
    %swap3A_18 = vector.load %arg2[%swap3A, %swap3A_17] : memref<16x5120xi32, #tpu.memory_space<vmem>>, vector<1x5120xi32>
    tpu.vector_store %arg2[%swap3A, %swap3A_17], %broadcast_in_dim3A_16 {strides = array<i32>} : memref<16x5120xi32, #tpu.memory_space<vmem>>, vector<1x5120xi32>,
    %concatenate3A_19 = tpu.concatenate %reduce_min3A_13, %broadcast_in_dim3A_15 in 0 : vector<5000xi32>, vector<120xi32> -> vector<5120xi32>
    %broadcast_in_dim3A_20 = vector.shape_cast %concatenate3A_19 : vector<5120xi32> to vector<1x5120xi32>
    %swap3A_21 = arith.index_cast %arg0 : i32 to index
    %swap3A_22 = arith.constant 0 : index
    %swap3A_23 = vector.load %arg3[%swap3A_21, %swap3A_22] : memref<16x5120xi32, #tpu.memory_space<vmem>>, vector<1x5120xi32>
    tpu.vector_store %arg3[%swap3A_21, %swap3A_22], %broadcast_in_dim3A_20 {strides = array<i32>} : memref<16x5120xi32, #tpu.memory_space<vmem>>, vector<1x5120xi32>,
    %eq3A_24 = arith.constant 15 : i32
    %eq3A_25 = arith.cmpi eq, %arg0, %eq3A_24 : i32
    %convert_element_type3A = arith.extui %eq3A_25 : i1 to i32
    %cond3A = arith.constant 0 : i32
    %cond3A_26 = arith.cmpi ne, %convert_element_type3A, %cond3A : i32
    scf.if %cond3A_26 {
      %get3A_27 = arith.constant 0 : index
      %get3A_28 = arith.constant 0 : index
      %get3A_29 = vector.load %arg2[%get3A_27, %get3A_28] : memref<16x5120xi32, #tpu.memory_space<vmem>>, vector<16x5120xi32>
      %broadcast_in_dim3A_30 = arith.constant 0 : i32
      %broadcast_in_dim3A_31 = vector.broadcast %broadcast_in_dim3A_30 : i32 to vector<16x1xi32>
      %broadcast_in_dim3A_32 = arith.constant 1073741824 : i32
      %broadcast_in_dim3A_33 = vector.broadcast %broadcast_in_dim3A_32 : i32 to vector<16x1xi32>
      %scan3A = arith.constant 0 : i32
      %scan3A_34 = arith.constant 30 : i32
      %scan3A_35 = arith.addi %scan3A, %scan3A_34 : i32
      %scan3A_36 = arith.constant 1 : i32
      %scan3A_37:2 = scf.for %scan3A_54 = %scan3A to %scan3A_35 step %scan3A_36 iter_args(%scan3A_55 = %broadcast_in_dim3A_31, %scan3A_56 = %broadcast_in_dim3A_33) -> (vector<16x1xi32>, vector<16x1xi32>)  : i32 {
        %sub3A_57 = arith.subi %scan3A_56, %scan3A_55 : vector<16x1xi32>
        %shift_right_arithmetic3A = arith.constant 1 : i32
        %shift_right_arithmetic3A_58 = vector.broadcast %shift_right_arithmetic3A : i32 to vector<16x1xi32>
        %shift_right_arithmetic3A_59 = arith.shrsi %sub3A_57, %shift_right_arithmetic3A_58 : vector<16x1xi32>
        %add3A_60 = arith.addi %scan3A_55, %shift_right_arithmetic3A_59 : vector<16x1xi32>
        %gt3A_61 = vector.broadcast %add3A_60 : vector<16x1xi32> to vector<16x5120xi32>
        %gt3A_62 = arith.cmpi sgt, %get3A_29, %gt3A_61 : vector<16x5120xi32>
        %convert_element_type3A_63 = arith.extui %gt3A_62 : vector<16x5120xi1> to vector<16x5120xi32>
        %reduce_sum3A_64 = arith.constant dense<0> : vector<16xi32>
        %reduce_sum3A_65 = vector.multi_reduction <add>, %convert_element_type3A_63, %reduce_sum3A_64 [1] : vector<16x5120xi32> to vector<16xi32>
        %broadcast_in_dim3A_66 = vector.shape_cast %reduce_sum3A_65 : vector<16xi32> to vector<16x1xi32>
        %lt3A = arith.constant 300 : i32
        %lt3A_67 = vector.broadcast %lt3A : i32 to vector<16x1xi32>
        %lt3A_68 = arith.cmpi slt, %broadcast_in_dim3A_66, %lt3A_67 : vector<16x1xi32>
        %select_n3A_69 = arith.select %lt3A_68, %scan3A_55, %add3A_60 : vector<16x1xi1>, vector<16x1xi32>
        %select_n3A_70 = arith.select %lt3A_68, %add3A_60, %scan3A_56 : vector<16x1xi1>, vector<16x1xi32>
        scf.yield %select_n3A_69, %select_n3A_70 : vector<16x1xi32>, vector<16x1xi32>
      }
      %gt3A = vector.broadcast %scan3A_37#1 : vector<16x1xi32> to vector<16x5120xi32>
      %gt3A_38 = arith.cmpi sgt, %get3A_29, %gt3A : vector<16x5120xi32>
      %convert_element_type3A_39 = arith.extui %gt3A_38 : vector<16x5120xi1> to vector<16x5120xi32>
      %reduce_sum3A = arith.constant dense<0> : vector<16xi32>
      %reduce_sum3A_40 = vector.multi_reduction <add>, %convert_element_type3A_39, %reduce_sum3A [1] : vector<16x5120xi32> to vector<16xi32>
      %broadcast_in_dim3A_41 = vector.shape_cast %reduce_sum3A_40 : vector<16xi32> to vector<16x1xi32>
      %sub3A = arith.constant 300 : i32
      %sub3A_42 = vector.broadcast %sub3A : i32 to vector<16x1xi32>
      %sub3A_43 = arith.subi %sub3A_42, %broadcast_in_dim3A_41 : vector<16x1xi32>
      %broadcast_in_dim3A_44 = vector.shape_cast %scan3A_37#1 : vector<16x1xi32> to vector<16x1xi32>
      %broadcast_in_dim3A_45 = vector.broadcast %broadcast_in_dim3A_44 : vector<16x1xi32> to vector<16x128xi32>
      %swap3A_46 = arith.constant 0 : index
      %swap3A_47 = arith.constant 0 : index
      %swap3A_48 = vector.load %arg4[%swap3A_46, %swap3A_47] : memref<16x128xi32, #tpu.memory_space<vmem>>, vector<16x128xi32>
      tpu.vector_store %arg4[%swap3A_46, %swap3A_47], %broadcast_in_dim3A_45 {strides = array<i32>} : memref<16x128xi32, #tpu.memory_space<vmem>>, vector<16x128xi32>,
      %broadcast_in_dim3A_49 = vector.shape_cast %sub3A_43 : vector<16x1xi32> to vector<16x1xi32>
      %broadcast_in_dim3A_50 = vector.broadcast %broadcast_in_dim3A_49 : vector<16x1xi32> to vector<16x128xi32>
      %swap3A_51 = arith.constant 0 : index
      %swap3A_52 = arith.constant 0 : index
      %swap3A_53 = vector.load %arg5[%swap3A_51, %swap3A_52] : memref<16x128xi32, #tpu.memory_space<vmem>>, vector<16x128xi32>
      tpu.vector_store %arg5[%swap3A_51, %swap3A_52], %broadcast_in_dim3A_50 {strides = array<i32>} : memref<16x128xi32, #tpu.memory_space<vmem>>, vector<16x128xi32>,
    } else {
    }
    return
  }
  func.func @transform_0(%arg0: i32) -> (i32, i32, i32) {
    %c0_i32 = arith.constant 0 : i32
    %c0_i32_0 = arith.constant 0 : i32
    %c0_i32_1 = arith.constant 0 : i32
    return %arg0, %c0_i32, %c0_i32_0 : i32, i32, i32
  }
  func.func @transform_1(%arg0: i32) -> (i32, i32) {
    %c0_i32 = arith.constant 0 : i32
    %c0_i32_0 = arith.constant 0 : i32
    %c0_i32_1 = arith.constant 0 : i32
    return %c0_i32, %c0_i32_0 : i32, i32
  }
  func.func @transform_2(%arg0: i32) -> (i32, i32) {
    %c0_i32 = arith.constant 0 : i32
    %c0_i32_0 = arith.constant 0 : i32
    %c0_i32_1 = arith.constant 0 : i32
    return %c0_i32, %c0_i32_0 : i32, i32
  }
  func.func @transform_3(%arg0: i32) -> (i32, i32) {
    %c0_i32 = arith.constant 0 : i32
    %c0_i32_0 = arith.constant 0 : i32
    %c0_i32_1 = arith.constant 0 : i32
    return %c0_i32, %c0_i32_0 : i32, i32
  }
  func.func @transform_4(%arg0: i32) -> (i32, i32) {
    %c0_i32 = arith.constant 0 : i32
    %c0_i32_0 = arith.constant 0 : i32
    %c0_i32_1 = arith.constant 0 : i32
    return %c0_i32, %c0_i32_0 : i32, i32
  }
}

module attributes {stable_mosaic.version = 14 : i64} {
  func.func @_order_kernel(%arg0: i32, %arg1: memref<1x1x384xi32, #tpu.memory_space<vmem>>, %arg2: memref<1x384x1xi32, #tpu.memory_space<vmem>>, %arg3: memref<1x1x384xi32, #tpu.memory_space<vmem>>, %arg4: memref<1x384x1xi32, #tpu.memory_space<vmem>>, %arg5: memref<1x1x384xi32, #tpu.memory_space<vmem>>, %arg6: memref<1x1x384xf32, #tpu.memory_space<vmem>>, %arg7: memref<1x1x384xf32, #tpu.memory_space<vmem>>, %arg8: memref<1x1x384xf32, #tpu.memory_space<vmem>>, %arg9: memref<1x1x384xf32, #tpu.memory_space<vmem>>, %arg10: memref<16x2xf32, #tpu.memory_space<vmem>>, %arg11: memref<1x1x384xf32, #tpu.memory_space<vmem>>, %arg12: memref<1x1x384xi32, #tpu.memory_space<vmem>>, %arg13: memref<1x1x384xf32, #tpu.memory_space<vmem>>, %arg14: memref<1x1x384xf32, #tpu.memory_space<vmem>>, %arg15: memref<1x1x384xf32, #tpu.memory_space<vmem>>, %arg16: memref<1x1x384xf32, #tpu.memory_space<vmem>>) attributes {dimension_semantics = [#tpu.dimension_semantics<arbitrary>], iteration_bounds = array<i64: 16>, scalar_prefetch = 0 : i64, scratch_operands = 0 : i64, tpu.core_type = #tpu.core_type<tc>, window_params = [{transform_indices = @transform_0, window_bounds = array<i64: 1, 1, 384>}, {transform_indices = @transform_1, window_bounds = array<i64: 1, 384, 1>}, {transform_indices = @transform_2, window_bounds = array<i64: 1, 1, 384>}, {transform_indices = @transform_3, window_bounds = array<i64: 1, 384, 1>}, {transform_indices = @transform_4, window_bounds = array<i64: 1, 1, 384>}, {transform_indices = @transform_5, window_bounds = array<i64: 1, 1, 384>}, {transform_indices = @transform_6, window_bounds = array<i64: 1, 1, 384>}, {transform_indices = @transform_7, window_bounds = array<i64: 1, 1, 384>}, {transform_indices = @transform_8, window_bounds = array<i64: 1, 1, 384>}, {pipeline_mode = #tpu.pipeline_mode<synchronous>, transform_indices = @transform_9, window_bounds = array<i64: 16, 2>}, {transform_indices = @transform_10, window_bounds = array<i64: 1, 1, 384>}, {transform_indices = @transform_11, window_bounds = array<i64: 1, 1, 384>}, {transform_indices = @transform_12, window_bounds = array<i64: 1, 1, 384>}, {transform_indices = @transform_13, window_bounds = array<i64: 1, 1, 384>}, {transform_indices = @transform_14, window_bounds = array<i64: 1, 1, 384>}, {transform_indices = @transform_15, window_bounds = array<i64: 1, 1, 384>}]} {
    %get3A = arith.constant 0 : index
    %get3A_0 = arith.constant 0 : index
    %get3A_1 = arith.constant 0 : index
    %get3A_2 = vector.load %arg1[%get3A, %get3A_0, %get3A_1] : memref<1x1x384xi32, #tpu.memory_space<vmem>>, vector<1x1x384xi32>
    %get3A_3 = vector.shape_cast %get3A_2 : vector<1x1x384xi32> to vector<1x384xi32>
    %get3A_4 = arith.constant 0 : index
    %get3A_5 = arith.constant 0 : index
    %get3A_6 = arith.constant 0 : index
    %get3A_7 = vector.load %arg2[%get3A_4, %get3A_5, %get3A_6] : memref<1x384x1xi32, #tpu.memory_space<vmem>>, vector<1x384x1xi32>
    %get3A_8 = vector.shape_cast %get3A_7 : vector<1x384x1xi32> to vector<384x1xi32>
    %get3A_9 = arith.constant 0 : index
    %get3A_10 = arith.constant 0 : index
    %get3A_11 = arith.constant 0 : index
    %get3A_12 = vector.load %arg3[%get3A_9, %get3A_10, %get3A_11] : memref<1x1x384xi32, #tpu.memory_space<vmem>>, vector<1x1x384xi32>
    %get3A_13 = vector.shape_cast %get3A_12 : vector<1x1x384xi32> to vector<1x384xi32>
    %get3A_14 = arith.constant 0 : index
    %get3A_15 = arith.constant 0 : index
    %get3A_16 = arith.constant 0 : index
    %get3A_17 = vector.load %arg4[%get3A_14, %get3A_15, %get3A_16] : memref<1x384x1xi32, #tpu.memory_space<vmem>>, vector<1x384x1xi32>
    %get3A_18 = vector.shape_cast %get3A_17 : vector<1x384x1xi32> to vector<384x1xi32>
    %gt3A = vector.broadcast %get3A_3 : vector<1x384xi32> to vector<384x384xi32>
    %gt3A_19 = vector.broadcast %get3A_8 : vector<384x1xi32> to vector<384x384xi32>
    %gt3A_20 = arith.cmpi sgt, %gt3A, %gt3A_19 : vector<384x384xi32>
    %eq3A = vector.broadcast %get3A_3 : vector<1x384xi32> to vector<384x384xi32>
    %eq3A_21 = vector.broadcast %get3A_8 : vector<384x1xi32> to vector<384x384xi32>
    %eq3A_22 = arith.cmpi eq, %eq3A, %eq3A_21 : vector<384x384xi32>
    %lt3A = vector.broadcast %get3A_13 : vector<1x384xi32> to vector<384x384xi32>
    %lt3A_23 = vector.broadcast %get3A_18 : vector<384x1xi32> to vector<384x384xi32>
    %lt3A_24 = arith.cmpi slt, %lt3A, %lt3A_23 : vector<384x384xi32>
    %and3A = arith.andi %eq3A_22, %lt3A_24 : vector<384x384xi1>
    %or3A = arith.ori %gt3A_20, %and3A : vector<384x384xi1>
    %convert_element_type3A = arith.extui %or3A : vector<384x384xi1> to vector<384x384xi32>
    %reduce_sum3A = arith.constant dense<0> : vector<384xi32>
    %reduce_sum3A_25 = vector.multi_reduction <add>, %convert_element_type3A, %reduce_sum3A [1] : vector<384x384xi32> to vector<384xi32>
    %broadcast_in_dim3A = vector.shape_cast %reduce_sum3A_25 : vector<384xi32> to vector<384x1xi32>
    %iota3A = tpu.iota {dimensions = array<i32: 1>} : vector<384x384xi32>
    %eq3A_26 = vector.broadcast %broadcast_in_dim3A : vector<384x1xi32> to vector<384x384xi32>
    %eq3A_27 = arith.cmpi eq, %eq3A_26, %iota3A : vector<384x384xi32>
    %convert_element_type3A_28 = arith.extui %eq3A_27 : vector<384x384xi1> to vector<384x384xi32>
    %convert_element_type3A_29 = arith.sitofp %convert_element_type3A_28 : vector<384x384xi32> to vector<384x384xf32>
    %ge3A = arith.constant 0 : i32
    %ge3A_30 = vector.broadcast %ge3A : i32 to vector<1x384xi32>
    %ge3A_31 = arith.cmpi sge, %get3A_3, %ge3A_30 : vector<1x384xi32>
    %bitcast_convert_type3A = tpu.bitcast %get3A_3 : vector<1x384xi32> -> vector<1x384xf32>
    %jit3A = arith.constant 0.000000e+00 : f32
    %broadcast_in_dim3A_32 = vector.broadcast %jit3A : f32 to vector<1x384xf32>
    %select_n3A = arith.select %ge3A_31, %bitcast_convert_type3A, %broadcast_in_dim3A_32 : vector<1x384xi1>, vector<1x384xf32>
    %get3A_33 = arith.constant 0 : index
    %get3A_34 = arith.constant 0 : index
    %get3A_35 = arith.constant 0 : index
    %get3A_36 = vector.load %arg5[%get3A_33, %get3A_34, %get3A_35] : memref<1x1x384xi32, #tpu.memory_space<vmem>>, vector<1x1x384xi32>
    %get3A_37 = vector.shape_cast %get3A_36 : vector<1x1x384xi32> to vector<1x384xi32>
    %convert_element_type3A_38 = arith.sitofp %get3A_37 : vector<1x384xi32> to vector<1x384xf32>
    %iota3A_39 = tpu.iota {dimensions = array<i32: 0>} : vector<8x384xi32>
    %eq3A_40 = arith.constant 0 : i32
    %eq3A_41 = vector.broadcast %eq3A_40 : i32 to vector<8x384xi32>
    %eq3A_42 = arith.cmpi eq, %iota3A_39, %eq3A_41 : vector<8x384xi32>
    %broadcast_in_dim3A_43 = vector.shape_cast %select_n3A : vector<1x384xf32> to vector<1x384xf32>
    %broadcast_in_dim3A_44 = vector.broadcast %broadcast_in_dim3A_43 : vector<1x384xf32> to vector<8x384xf32>
    %jit3A_45 = arith.constant 0.000000e+00 : f32
    %broadcast_in_dim3A_46 = vector.broadcast %jit3A_45 : f32 to vector<8x384xf32>
    %select_n3A_47 = arith.select %eq3A_42, %broadcast_in_dim3A_44, %broadcast_in_dim3A_46 : vector<8x384xi1>, vector<8x384xf32>
    %eq3A_48 = arith.constant 1 : i32
    %eq3A_49 = vector.broadcast %eq3A_48 : i32 to vector<8x384xi32>
    %eq3A_50 = arith.cmpi eq, %iota3A_39, %eq3A_49 : vector<8x384xi32>
    %broadcast_in_dim3A_51 = vector.shape_cast %convert_element_type3A_38 : vector<1x384xf32> to vector<1x384xf32>
    %broadcast_in_dim3A_52 = vector.broadcast %broadcast_in_dim3A_51 : vector<1x384xf32> to vector<8x384xf32>
    %select_n3A_53 = arith.select %eq3A_50, %broadcast_in_dim3A_52, %select_n3A_47 : vector<8x384xi1>, vector<8x384xf32>
    %eq3A_54 = arith.constant 2 : i32
    %eq3A_55 = vector.broadcast %eq3A_54 : i32 to vector<8x384xi32>
    %eq3A_56 = arith.cmpi eq, %iota3A_39, %eq3A_55 : vector<8x384xi32>
    %get3A_57 = arith.constant 0 : index
    %get3A_58 = arith.constant 0 : index
    %get3A_59 = arith.constant 0 : index
    %get3A_60 = vector.load %arg6[%get3A_57, %get3A_58, %get3A_59] : memref<1x1x384xf32, #tpu.memory_space<vmem>>, vector<1x1x384xf32>
    %get3A_61 = vector.shape_cast %get3A_60 : vector<1x1x384xf32> to vector<1x384xf32>
    %broadcast_in_dim3A_62 = vector.shape_cast %get3A_61 : vector<1x384xf32> to vector<1x384xf32>
    %broadcast_in_dim3A_63 = vector.broadcast %broadcast_in_dim3A_62 : vector<1x384xf32> to vector<8x384xf32>
    %select_n3A_64 = arith.select %eq3A_56, %broadcast_in_dim3A_63, %select_n3A_53 : vector<8x384xi1>, vector<8x384xf32>
    %eq3A_65 = arith.constant 3 : i32
    %eq3A_66 = vector.broadcast %eq3A_65 : i32 to vector<8x384xi32>
    %eq3A_67 = arith.cmpi eq, %iota3A_39, %eq3A_66 : vector<8x384xi32>
    %get3A_68 = arith.constant 0 : index
    %get3A_69 = arith.constant 0 : index
    %get3A_70 = arith.constant 0 : index
    %get3A_71 = vector.load %arg7[%get3A_68, %get3A_69, %get3A_70] : memref<1x1x384xf32, #tpu.memory_space<vmem>>, vector<1x1x384xf32>
    %get3A_72 = vector.shape_cast %get3A_71 : vector<1x1x384xf32> to vector<1x384xf32>
    %broadcast_in_dim3A_73 = vector.shape_cast %get3A_72 : vector<1x384xf32> to vector<1x384xf32>
    %broadcast_in_dim3A_74 = vector.broadcast %broadcast_in_dim3A_73 : vector<1x384xf32> to vector<8x384xf32>
    %select_n3A_75 = arith.select %eq3A_67, %broadcast_in_dim3A_74, %select_n3A_64 : vector<8x384xi1>, vector<8x384xf32>
    %eq3A_76 = arith.constant 4 : i32
    %eq3A_77 = vector.broadcast %eq3A_76 : i32 to vector<8x384xi32>
    %eq3A_78 = arith.cmpi eq, %iota3A_39, %eq3A_77 : vector<8x384xi32>
    %get3A_79 = arith.constant 0 : index
    %get3A_80 = arith.constant 0 : index
    %get3A_81 = arith.constant 0 : index
    %get3A_82 = vector.load %arg8[%get3A_79, %get3A_80, %get3A_81] : memref<1x1x384xf32, #tpu.memory_space<vmem>>, vector<1x1x384xf32>
    %get3A_83 = vector.shape_cast %get3A_82 : vector<1x1x384xf32> to vector<1x384xf32>
    %broadcast_in_dim3A_84 = vector.shape_cast %get3A_83 : vector<1x384xf32> to vector<1x384xf32>
    %broadcast_in_dim3A_85 = vector.broadcast %broadcast_in_dim3A_84 : vector<1x384xf32> to vector<8x384xf32>
    %select_n3A_86 = arith.select %eq3A_78, %broadcast_in_dim3A_85, %select_n3A_75 : vector<8x384xi1>, vector<8x384xf32>
    %eq3A_87 = arith.constant 5 : i32
    %eq3A_88 = vector.broadcast %eq3A_87 : i32 to vector<8x384xi32>
    %eq3A_89 = arith.cmpi eq, %iota3A_39, %eq3A_88 : vector<8x384xi32>
    %get3A_90 = arith.constant 0 : index
    %get3A_91 = arith.constant 0 : index
    %get3A_92 = arith.constant 0 : index
    %get3A_93 = vector.load %arg9[%get3A_90, %get3A_91, %get3A_92] : memref<1x1x384xf32, #tpu.memory_space<vmem>>, vector<1x1x384xf32>
    %get3A_94 = vector.shape_cast %get3A_93 : vector<1x1x384xf32> to vector<1x384xf32>
    %broadcast_in_dim3A_95 = vector.shape_cast %get3A_94 : vector<1x384xf32> to vector<1x384xf32>
    %broadcast_in_dim3A_96 = vector.broadcast %broadcast_in_dim3A_95 : vector<1x384xf32> to vector<8x384xf32>
    %select_n3A_97 = arith.select %eq3A_89, %broadcast_in_dim3A_96, %select_n3A_86 : vector<8x384xi1>, vector<8x384xf32>
    %dot_general3A = arith.constant dense<0.000000e+00> : vector<8x384xf32>
    %dot_general3A_98 = tpu.matmul %select_n3A_97, %convert_element_type3A_29, %dot_general3A {dimension_numbers = #tpu.dot_dimension_numbers<[1], [0], [0], [1], [0, 0, 1, 1], [], []>, precision = #tpu.contract_precision<fp32>, transpose_lhs_hint = false} : vector<8x384xf32>, vector<384x384xf32>, vector<8x384xf32> -> vector<8x384xf32>
    %get3A_99 = arith.index_cast %arg0 : i32 to index
    %get3A_100 = arith.constant 0 : index
    %get3A_101 = vector.load %arg10[%get3A_99, %get3A_100] : memref<16x2xf32, #tpu.memory_space<vmem>>, vector<1x1xf32>
    %get3A_102 = arith.index_cast %arg0 : i32 to index
    %get3A_103 = arith.constant 1 : index
    %get3A_104 = vector.load %arg10[%get3A_102, %get3A_103] : memref<16x2xf32, #tpu.memory_space<vmem>>, vector<1x1xf32>
    %broadcast_in_dim3A_105 = vector.shape_cast %get3A_101 : vector<1x1xf32> to vector<1x1xf32>
    %broadcast_in_dim3A_106 = vector.broadcast %broadcast_in_dim3A_105 : vector<1x1xf32> to vector<1x384xf32>
    %broadcast_in_dim3A_107 = vector.shape_cast %get3A_104 : vector<1x1xf32> to vector<1x1xf32>
    %broadcast_in_dim3A_108 = vector.broadcast %broadcast_in_dim3A_107 : vector<1x1xf32> to vector<1x384xf32>
    %slice3A = vector.extract_strided_slice %dot_general3A_98 {offsets = [2, 0], sizes = [1, 384], strides = [1, 1]} : vector<8x384xf32> to vector<1x384xf32>
    %slice3A_109 = vector.extract_strided_slice %dot_general3A_98 {offsets = [3, 0], sizes = [1, 384], strides = [1, 1]} : vector<8x384xf32> to vector<1x384xf32>
    %slice3A_110 = vector.extract_strided_slice %dot_general3A_98 {offsets = [4, 0], sizes = [1, 384], strides = [1, 1]} : vector<8x384xf32> to vector<1x384xf32>
    %slice3A_111 = vector.extract_strided_slice %dot_general3A_98 {offsets = [5, 0], sizes = [1, 384], strides = [1, 1]} : vector<8x384xf32> to vector<1x384xf32>
    %slice3A_112 = vector.extract_strided_slice %dot_general3A_98 {offsets = [0, 0], sizes = [1, 384], strides = [1, 1]} : vector<8x384xf32> to vector<1x384xf32>
    %swap3A = arith.constant 0 : index
    %swap3A_113 = arith.constant 0 : index
    %swap3A_114 = arith.constant 0 : index
    %swap3A_115 = vector.load %arg11[%swap3A, %swap3A_113, %swap3A_114] : memref<1x1x384xf32, #tpu.memory_space<vmem>>, vector<1x1x384xf32>
    %swap3A_116 = vector.shape_cast %swap3A_115 : vector<1x1x384xf32> to vector<1x384xf32>
    %swap3A_117 = vector.shape_cast %slice3A_112 : vector<1x384xf32> to vector<1x1x384xf32>
    tpu.vector_store %arg11[%swap3A, %swap3A_113, %swap3A_114], %swap3A_117 {strides = array<i32>} : memref<1x1x384xf32, #tpu.memory_space<vmem>>, vector<1x1x384xf32>,
    %slice3A_118 = vector.extract_strided_slice %dot_general3A_98 {offsets = [1, 0], sizes = [1, 384], strides = [1, 1]} : vector<8x384xf32> to vector<1x384xf32>
    %convert_element_type3A_119 = arith.fptosi %slice3A_118 : vector<1x384xf32> to vector<1x384xi32>
    %swap3A_120 = arith.constant 0 : index
    %swap3A_121 = arith.constant 0 : index
    %swap3A_122 = arith.constant 0 : index
    %swap3A_123 = vector.load %arg12[%swap3A_120, %swap3A_121, %swap3A_122] : memref<1x1x384xi32, #tpu.memory_space<vmem>>, vector<1x1x384xi32>
    %swap3A_124 = vector.shape_cast %swap3A_123 : vector<1x1x384xi32> to vector<1x384xi32>
    %swap3A_125 = vector.shape_cast %convert_element_type3A_119 : vector<1x384xi32> to vector<1x1x384xi32>
    tpu.vector_store %arg12[%swap3A_120, %swap3A_121, %swap3A_122], %swap3A_125 {strides = array<i32>} : memref<1x1x384xi32, #tpu.memory_space<vmem>>, vector<1x1x384xi32>,
    %mul3A = arith.constant 5.000000e-01 : f32
    %mul3A_126 = vector.broadcast %mul3A : f32 to vector<1x384xf32>
    %mul3A_127 = arith.mulf %mul3A_126, %slice3A_110 : vector<1x384xf32>
    %sub3A = arith.subf %slice3A, %mul3A_127 : vector<1x384xf32>
    %mul3A_128 = arith.mulf %sub3A, %broadcast_in_dim3A_108 : vector<1x384xf32>
    %swap3A_129 = arith.constant 0 : index
    %swap3A_130 = arith.constant 0 : index
    %swap3A_131 = arith.constant 0 : index
    %swap3A_132 = vector.load %arg13[%swap3A_129, %swap3A_130, %swap3A_131] : memref<1x1x384xf32, #tpu.memory_space<vmem>>, vector<1x1x384xf32>
    %swap3A_133 = vector.shape_cast %swap3A_132 : vector<1x1x384xf32> to vector<1x384xf32>
    %swap3A_134 = vector.shape_cast %mul3A_128 : vector<1x384xf32> to vector<1x1x384xf32>
    tpu.vector_store %arg13[%swap3A_129, %swap3A_130, %swap3A_131], %swap3A_134 {strides = array<i32>} : memref<1x1x384xf32, #tpu.memory_space<vmem>>, vector<1x1x384xf32>,
    %mul3A_135 = arith.constant 5.000000e-01 : f32
    %mul3A_136 = vector.broadcast %mul3A_135 : f32 to vector<1x384xf32>
    %mul3A_137 = arith.mulf %mul3A_136, %slice3A_111 : vector<1x384xf32>
    %sub3A_138 = arith.subf %slice3A_109, %mul3A_137 : vector<1x384xf32>
    %mul3A_139 = arith.mulf %sub3A_138, %broadcast_in_dim3A_106 : vector<1x384xf32>
    %swap3A_140 = arith.constant 0 : index
    %swap3A_141 = arith.constant 0 : index
    %swap3A_142 = arith.constant 0 : index
    %swap3A_143 = vector.load %arg14[%swap3A_140, %swap3A_141, %swap3A_142] : memref<1x1x384xf32, #tpu.memory_space<vmem>>, vector<1x1x384xf32>
    %swap3A_144 = vector.shape_cast %swap3A_143 : vector<1x1x384xf32> to vector<1x384xf32>
    %swap3A_145 = vector.shape_cast %mul3A_139 : vector<1x384xf32> to vector<1x1x384xf32>
    tpu.vector_store %arg14[%swap3A_140, %swap3A_141, %swap3A_142], %swap3A_145 {strides = array<i32>} : memref<1x1x384xf32, #tpu.memory_space<vmem>>, vector<1x1x384xf32>,
    %mul3A_146 = arith.constant 5.000000e-01 : f32
    %mul3A_147 = vector.broadcast %mul3A_146 : f32 to vector<1x384xf32>
    %mul3A_148 = arith.mulf %mul3A_147, %slice3A_110 : vector<1x384xf32>
    %add3A = arith.addf %slice3A, %mul3A_148 : vector<1x384xf32>
    %mul3A_149 = arith.mulf %add3A, %broadcast_in_dim3A_108 : vector<1x384xf32>
    %swap3A_150 = arith.constant 0 : index
    %swap3A_151 = arith.constant 0 : index
    %swap3A_152 = arith.constant 0 : index
    %swap3A_153 = vector.load %arg15[%swap3A_150, %swap3A_151, %swap3A_152] : memref<1x1x384xf32, #tpu.memory_space<vmem>>, vector<1x1x384xf32>
    %swap3A_154 = vector.shape_cast %swap3A_153 : vector<1x1x384xf32> to vector<1x384xf32>
    %swap3A_155 = vector.shape_cast %mul3A_149 : vector<1x384xf32> to vector<1x1x384xf32>
    tpu.vector_store %arg15[%swap3A_150, %swap3A_151, %swap3A_152], %swap3A_155 {strides = array<i32>} : memref<1x1x384xf32, #tpu.memory_space<vmem>>, vector<1x1x384xf32>,
    %mul3A_156 = arith.constant 5.000000e-01 : f32
    %mul3A_157 = vector.broadcast %mul3A_156 : f32 to vector<1x384xf32>
    %mul3A_158 = arith.mulf %mul3A_157, %slice3A_111 : vector<1x384xf32>
    %add3A_159 = arith.addf %slice3A_109, %mul3A_158 : vector<1x384xf32>
    %mul3A_160 = arith.mulf %add3A_159, %broadcast_in_dim3A_106 : vector<1x384xf32>
    %swap3A_161 = arith.constant 0 : index
    %swap3A_162 = arith.constant 0 : index
    %swap3A_163 = arith.constant 0 : index
    %swap3A_164 = vector.load %arg16[%swap3A_161, %swap3A_162, %swap3A_163] : memref<1x1x384xf32, #tpu.memory_space<vmem>>, vector<1x1x384xf32>
    %swap3A_165 = vector.shape_cast %swap3A_164 : vector<1x1x384xf32> to vector<1x384xf32>
    %swap3A_166 = vector.shape_cast %mul3A_160 : vector<1x384xf32> to vector<1x1x384xf32>
    tpu.vector_store %arg16[%swap3A_161, %swap3A_162, %swap3A_163], %swap3A_166 {strides = array<i32>} : memref<1x1x384xf32, #tpu.memory_space<vmem>>, vector<1x1x384xf32>,
    return
  }
  func.func @transform_0(%arg0: i32) -> (i32, i32, i32) {
    %c0_i32 = arith.constant 0 : i32
    %c0_i32_0 = arith.constant 0 : i32
    %c0_i32_1 = arith.constant 0 : i32
    return %arg0, %c0_i32, %c0_i32_0 : i32, i32, i32
  }
  func.func @transform_1(%arg0: i32) -> (i32, i32, i32) {
    %c0_i32 = arith.constant 0 : i32
    %c0_i32_0 = arith.constant 0 : i32
    %c0_i32_1 = arith.constant 0 : i32
    return %arg0, %c0_i32, %c0_i32_0 : i32, i32, i32
  }
  func.func @transform_2(%arg0: i32) -> (i32, i32, i32) {
    %c0_i32 = arith.constant 0 : i32
    %c0_i32_0 = arith.constant 0 : i32
    %c0_i32_1 = arith.constant 0 : i32
    return %arg0, %c0_i32, %c0_i32_0 : i32, i32, i32
  }
  func.func @transform_3(%arg0: i32) -> (i32, i32, i32) {
    %c0_i32 = arith.constant 0 : i32
    %c0_i32_0 = arith.constant 0 : i32
    %c0_i32_1 = arith.constant 0 : i32
    return %arg0, %c0_i32, %c0_i32_0 : i32, i32, i32
  }
  func.func @transform_4(%arg0: i32) -> (i32, i32, i32) {
    %c0_i32 = arith.constant 0 : i32
    %c0_i32_0 = arith.constant 0 : i32
    %c0_i32_1 = arith.constant 0 : i32
    return %arg0, %c0_i32, %c0_i32_0 : i32, i32, i32
  }
  func.func @transform_5(%arg0: i32) -> (i32, i32, i32) {
    %c0_i32 = arith.constant 0 : i32
    %c0_i32_0 = arith.constant 0 : i32
    %c0_i32_1 = arith.constant 0 : i32
    return %arg0, %c0_i32, %c0_i32_0 : i32, i32, i32
  }
  func.func @transform_6(%arg0: i32) -> (i32, i32, i32) {
    %c0_i32 = arith.constant 0 : i32
    %c0_i32_0 = arith.constant 0 : i32
    %c0_i32_1 = arith.constant 0 : i32
    return %arg0, %c0_i32, %c0_i32_0 : i32, i32, i32
  }
  func.func @transform_7(%arg0: i32) -> (i32, i32, i32) {
    %c0_i32 = arith.constant 0 : i32
    %c0_i32_0 = arith.constant 0 : i32
    %c0_i32_1 = arith.constant 0 : i32
    return %arg0, %c0_i32, %c0_i32_0 : i32, i32, i32
  }
  func.func @transform_8(%arg0: i32) -> (i32, i32, i32) {
    %c0_i32 = arith.constant 0 : i32
    %c0_i32_0 = arith.constant 0 : i32
    %c0_i32_1 = arith.constant 0 : i32
    return %arg0, %c0_i32, %c0_i32_0 : i32, i32, i32
  }
  func.func @transform_9(%arg0: i32) -> (i32, i32) {
    %c0_i32 = arith.constant 0 : i32
    %c0_i32_0 = arith.constant 0 : i32
    %c0_i32_1 = arith.constant 0 : i32
    return %c0_i32, %c0_i32_0 : i32, i32
  }
  func.func @transform_10(%arg0: i32) -> (i32, i32, i32) {
    %c0_i32 = arith.constant 0 : i32
    %c0_i32_0 = arith.constant 0 : i32
    %c0_i32_1 = arith.constant 0 : i32
    return %arg0, %c0_i32, %c0_i32_0 : i32, i32, i32
  }
  func.func @transform_11(%arg0: i32) -> (i32, i32, i32) {
    %c0_i32 = arith.constant 0 : i32
    %c0_i32_0 = arith.constant 0 : i32
    %c0_i32_1 = arith.constant 0 : i32
    return %arg0, %c0_i32, %c0_i32_0 : i32, i32, i32
  }
  func.func @transform_12(%arg0: i32) -> (i32, i32, i32) {
    %c0_i32 = arith.constant 0 : i32
    %c0_i32_0 = arith.constant 0 : i32
    %c0_i32_1 = arith.constant 0 : i32
    return %arg0, %c0_i32, %c0_i32_0 : i32, i32, i32
  }
  func.func @transform_13(%arg0: i32) -> (i32, i32, i32) {
    %c0_i32 = arith.constant 0 : i32
    %c0_i32_0 = arith.constant 0 : i32
    %c0_i32_1 = arith.constant 0 : i32
    return %arg0, %c0_i32, %c0_i32_0 : i32, i32, i32
  }
  func.func @transform_14(%arg0: i32) -> (i32, i32, i32) {
    %c0_i32 = arith.constant 0 : i32
    %c0_i32_0 = arith.constant 0 : i32
    %c0_i32_1 = arith.constant 0 : i32
    return %arg0, %c0_i32, %c0_i32_0 : i32, i32, i32
  }
  func.func @transform_15(%arg0: i32) -> (i32, i32, i32) {
    %c0_i32 = arith.constant 0 : i32
    %c0_i32_0 = arith.constant 0 : i32
    %c0_i32_1 = arith.constant 0 : i32
    return %arg0, %c0_i32, %c0_i32_0 : i32, i32, i32
  }
}

</mosaic_0001>

<sc_bundles>
// kernel: kernel.5.cloned.1.call-start
scs
__scs_entry_jumppad:
0x0: {  	(pc) =	sbr.rel $0x88, $3  }
0x1: {  	(tag) =	ssettag $0x0;
	lr =	simm.s32 $0x1  }
0x2: {  	[smem:$0x3F9E] =	sst lr;
	_ =	strace $0xD0000000  }
0x3: {  	_ = 	snop  }
0x4: {  	_ = 	snop  }
0x5: {  	_ = 	snop  }
0x6: {  	_ = 	snop  }
0x7: {  	_ = 	snop  }
__scs_overlays_trampoline_lowered:
0x8: {  	[smem:$0x3FAD] =	sst s0  }
0x9: {  	[smem:$0x3FAE] =	sst s1  }
0xa: {  	[smem:$0x3FAF] =	sst s2  }
0xb: {  	[smem:$0x3FB0] =	sst s3  }
0xc: {  	[smem:$0x3FB1] =	sst s4  }
0xd: {  	[smem:$0x3FB2] =	sst s5  }
0xe: {  	[smem:$0x3FB3] =	sst s6  }
0xf: {  	[smem:$0x3FB4] =	sst s7  }
0x10: {  	[smem:$0x3FB5] =	sst s8  }
0x11: {  	[smem:$0x3FB6] =	sst s9;
	s0 =	simm.s32 @!p0 $0x0  }
0x12: {  	s1 =	sld [smem:$0x3F9C];
	s0 =	simm.s32 @p0 $0x1  }
0x13: {  	[smem:$0x3FB7] =	sst s0;
	s0 =	simm.s32 @!p1 $0x0  }
0x14: {  	s2 =	sld [smem:$0x3F9B];
	s0 =	simm.s32 @p1 $0x1  }
0x15: {  	[smem:$0x3FB8] =	sst s0;
	s0 =	simm.s32 @!p2 $0x0  }
0x16: {  	s3 =	sld [smem:$0x3FDB];
	s0 =	simm.s32 @p2 $0x1  }
0x17: {  	s4 =	simm.s32 $0x1BF5;
	[smem:$0x3FBA] =	sst s0  }
0x18: {  	s0 =	sld [smem:$0x3F9D];
	_ =	swait.ge [sflag:s4], $0x0  }
0x19: {  	s7 =	sld [smem:$0x3F9E]  }
0x1a: {  	s8 =	sadd.s32 $0xFFFFE003, lr  }
0x1b: {  	s9 =	sadd.s32 $0xFFFFFEF7, lr;
	s5 =	simm.s32 $0xFFFFFFFF;
	p2 =	slt.u32 s8, $0xFFFFF086  }
0x1c: {  	p1 =	slt.u32 s9, $0xF7A;
	s5 =	simm.s32 @!p2 $0x0  }
0x1d: {  	s5 =	simm.s32 @p1 $0x1;
	p0 =	seq.s32 s7, s2  }
0x1e: {  	s7 =	smul.u32 @!p0 $0xF7A, s2;
	p2 =	seq.s32 @!p0 s5, $0x0  }
0x1f: {  	s9 =	smul.u32 $0xF7A, s1;
	s8 =	simm.s32 @!p0 $0x1BF5;
	p2 =	por !p2, p0  }
0x20: {  	[sflag:s8] =	ssyncset.s32 @!p0 $0xFFFFF086;
	s6 =	sadd.s32 @!p0 s3, s7;
	s7 =	simm.s32 @!p0 $0x108  }
0x21: {  	s3 =	sadd.s32 s3, s9;
	s6 =	sadd.s32 @!p0 $0x88, s6;
	s7 =	simm.s32 @p2 $0x1082  }
0x22: {  	[simem:s7], [sflag:s8] =	dma.local @!p0 [hbm:s6], $0xF7A  }
0x23: {  	s9 =	sor.u32 $0xD0000000, s2;
	s6 =	simm.s32 $0x108;
	_ =	swait.ge @!p0 [sflag:s8], $0x0  }
0x24: {  	s3 =	sadd.s32 $0x88, s3;
	s6 =	simm.s32 @!p1 $0x1082;
	[sflag:s4] =	ssyncset.s32 $0xFFFFF086  }
0x25: {  	[simem:s6], [sflag:s4] =	dma.local [hbm:s3], $0xF7A  }
0x26: {  	[smem:$0x3F9E] =	sst s1;
	(tag) =	ssettag s2;
	_ =	strace s9  }
0x27: {  	s1 =	sld [smem:$0x3FAE]  }
0x28: {  	s2 =	sld [smem:$0x3FAF]  }
0x29: {  	s4 =	sld [smem:$0x3FB1]  }
0x2a: {  	p0 =	seq.s32 s5, $0x0;
	s5 =	sld [smem:$0x3FB2]  }
0x2b: {  	s6 =	sld [smem:$0x3FB3]  }
0x2c: {  	s7 =	sld [smem:$0x3FB4]  }
0x2d: {  	s3 =	simm.s32 $0x108;
	s8 =	sld [smem:$0x3FB5]  }
0x2e: {  	s3 =	simm.s32 @!p0 $0x1082;
	s9 =	sld [smem:$0x3FB6]  }
0x2f: {  	lr =	sadd.s32 s0, s3;
	s0 =	sld [smem:$0x3FAD]  }
0x30: {  	s3 =	sld [smem:$0x3FB0]  }
0x31: {  	[smem:$0x3FB9] =	sst s10  }
0x32: {  	s10 =	sld [smem:$0x3FB7];
	_ =	sdelay $0x3  }
0x33: {  	p0 =	seq.s32 s10, $0x1;
	s10 =	sld [smem:$0x3FB9];
	_ =	sdelay $0x3  }
0x34: {  	[smem:$0x3FB9] =	sst s10  }
0x35: {  	s10 =	sld [smem:$0x3FB8];
	_ =	sdelay $0x3  }
0x36: {  	p1 =	seq.s32 s10, $0x1;
	s10 =	sld [smem:$0x3FB9];
	_ =	sdelay $0x3  }
0x37: {  	[smem:$0x3FB9] =	sst s10  }
0x38: {  	s10 =	sld [smem:$0x3FBA]  }
0x39: {  	_ = 	snop;
	(pc) =	sbr.ind lr, $3  }
0x3a: {  	_ = 	snop  }
0x3b: {  	_ = 	snop  }
0x3c: {  	p2 =	seq.s32 s10, $0x1;
	s10 =	sld [smem:$0x3FB9]  }
0x3d: {  	_ =	shalt  }
0x3e: {  	_ =	shalt  }
0x3f: {  	_ =	shalt  }
0x40: {  	_ =	shalt  }
0x41: {  	_ =	shalt  }
0x42: {  	_ =	shalt  }
0x43: {  	_ =	shalt  }
0x44: {  	_ =	shalt  }
0x45: {  	_ =	shalt  }
0x46: {  	_ =	shalt  }
0x47: {  	_ =	shalt  }
0x48: {  	_ =	shalt  }
0x49: {  	_ =	shalt  }
0x4a: {  	_ =	shalt  }
0x4b: {  	_ =	shalt  }
0x4c: {  	_ =	shalt  }
0x4d: {  	_ =	shalt  }
0x4e: {  	_ =	shalt  }
0x4f: {  	_ =	shalt  }
0x50: {  	_ =	shalt  }
0x51: {  	_ =	shalt  }
0x52: {  	_ =	shalt  }
0x53: {  	_ =	shalt  }
0x54: {  	_ =	shalt  }
0x55: {  	_ =	shalt  }
0x56: {  	_ =	shalt  }
0x57: {  	_ =	shalt  }
0x58: {  	_ =	shalt  }
0x59: {  	_ =	shalt  }
0x5a: {  	_ =	shalt  }
0x5b: {  	_ =	shalt  }
0x5c: {  	_ =	shalt  }
0x5d: {  	_ =	shalt  }
0x5e: {  	_ =	shalt  }
0x5f: {  	_ =	shalt  }
0x60: {  	_ =	shalt  }
0x61: {  	_ =	shalt  }
0x62: {  	_ =	shalt  }
0x63: {  	_ =	shalt  }
0x64: {  	_ =	shalt  }
0x65: {  	_ =	shalt  }
0x66: {  	_ =	shalt  }
0x67: {  	_ =	shalt  }
0x68: {  	_ =	shalt  }
0x69: {  	_ =	shalt  }
0x6a: {  	_ =	shalt  }
0x6b: {  	_ =	shalt  }
0x6c: {  	_ =	shalt  }
0x6d: {  	_ =	shalt  }
0x6e: {  	_ =	shalt  }
0x6f: {  	_ =	shalt  }
0x70: {  	_ =	shalt  }
0x71: {  	_ =	shalt  }
0x72: {  	_ =	shalt  }
0x73: {  	_ =	shalt  }
0x74: {  	_ =	shalt  }
0x75: {  	_ =	shalt  }
0x76: {  	_ =	shalt  }
0x77: {  	_ =	shalt  }
0x78: {  	_ =	shalt  }
0x79: {  	_ =	shalt  }
0x7a: {  	_ =	shalt  }
0x7b: {  	_ =	shalt  }
0x7c: {  	_ =	shalt  }
0x7d: {  	_ =	shalt  }
0x7e: {  	_ =	shalt  }
0x7f: {  	_ =	shalt  }
0x80: {  	_ =	shalt  }
0x81: {  	_ =	shalt  }
0x82: {  	_ =	shalt  }
0x83: {  	_ =	shalt  }
0x84: {  	_ =	shalt  }
0x85: {  	_ =	shalt  }
0x86: {  	_ =	shalt  }
0x87: {  	_ =	shalt  }
.Lfunc_end0:
.L_simem_size_0:
called_computation_lowered:
.L_overlay_start_0:
0x88: {  	s2 =	sld [smem:$0x3FD9]  }
0x89: {  	s3 =	sld [smem:$0x3FFE];
	_ =	sdelay $0x1  }
0x8a: {  	s1 =	srdreg.scid  }
0x8b: {  	s0 =	sand.u32 $0x1, s1  }
0x8c: {  	s14 =	sshll.u32 s0, $0xA;
	s2 =	sadd.s32 s3, s2  }
0x8d: {  	s2 =	sadd.s32 s2, s14  }
0x8e: {  	[smem:$0x3FC5] =	sst s2  }
0x8f: {  	_ = 	snop  }
0x90: {  	s2 =	sld [smem:$0x3FD0];
	_ =	sdelay $0x2  }
0x91: {  	s15 =	simm.s32 $0xA;
	s4 =	simm.s32 $0x10  }
0x92: {  	[smem:s4], [sflag:s15] =	dma.local [hbm:s2], $0x1  }
0x93: {  	_ =	swait.eq [sflag:s15], $0x1  }
0x94: {  	s16 =	sld [smem:$0x10];
	[sflag:s15] =	ssyncset.done $0x0  }
0x95: {  	s17 =	sld [smem:$0x11];
	[sflag:s15] =	ssyncadd.s32 $0xFFFFFFFF  }
0x96: {  	s18 =	sld [smem:$0x12];
	(tm) =	ssettm $0x1  }
0x97: {  	s5 =	sld [smem:$0x3FFB];
	_ =	sdelay $0x3  }
0x98: {  	_ =	strace s5  }
0x99: {  	s5 =	sld [smem:$0x3FFC];
	_ =	sdelay $0x3  }
0x9a: {  	_ =	strace s5  }
0x9b: {  	s5 =	sld [smem:$0x3FFD];
	_ =	sdelay $0x3  }
0x9c: {  	_ =	strace s5  }
0x9d: {  	_ =	strace $0x8FFFFFFF  }
0x9e: {  	s19 =	sld [smem:$0x3FDB];
	_ =	sdelay $0x1  }
0x9f: {  	s6 =	simm.s32 $_scs_section_size  }
0xa0: {  	s7 =	simm.s32 $_size__tile_overlayer_lowered;
	s8 =	simm.s32 $_tile_overlayer_lowered  }
0xa1: {  	s22 =	simm.s32 $0x1BFF;
	s21 =	sshll.u32 s8, $0x1;
	s5 =	sadd.s32 s6, s19  }
0xa2: {  	s9 =	simm.s32 $0x0;
	s20 =	sshll.u32 s7, $0x1;
	s7 =	sadd.s32 s21, s5  }
0xa3: {  	[timem:s9], [sflag:s22] =	dma.local [hbm:s7], s20  }
0xa4: {  	_ =	swait.ge [sflag:s22], s20  }
0xa5: {  	s6 =	ssub.s32 $0x0, s20;
	[sflag:s22] =	ssyncset.done $0x0  }
0xa6: {  	[sflag:s22] =	ssyncadd.s32 s6;
	_ =	sdelay $0x1  }
0xa7: {  	s23 =	simm.s32 $0x1B8B  }
0xa8: {  	_ =	swait.ge [sflag:s23], $0x1  }
0xa9: {  	[sflag:s23] =	ssyncset.done $0x0  }
0xaa: {  	s25 =	simm.s32 $0x1B8E;
	s24 =	sld [smem:$0x3FFE];
	[sflag:s23] =	ssyncadd.s32 $0xFFFFFFFF  }
0xab: {  	s26 =	simm.s32 $execute0_lowered;
	[smem:$0x3FD2] =	sst s25  }
0xac: {  	s7 =	sshll.u32 s26, $0x1;
	_ =	strace $0x80000046;
	[dreg:$0x1] =	wrdreg $0xFFFFFFFF  }
0xad: {  	s28 =	simm.s32 $_size_execute0_lowered;
	s5 =	sadd.s32 s5, s7;
	[dreg:$0x0] =	wrdreg $0x0  }
0xae: {  	s7 =	sshll.u32 s28, $0x1;
	[dreg:$0x2] =	wrdreg s5  }
0xaf: {  	[dreg:$0x3] =	wrdreg s7  }
0xb0: {  	[dreg:$0x4] =	wrdreg $0xC0  }
0xb1: {  	_ =	task [dreg:s9], $0x5FFFF  }
0xb2: {  	[dreg:$0x1] =	wrdreg $0xFFFFFFFF  }
0xb3: {  	[dreg:$0x0] =	wrdreg $0x60  }
0xb4: {  	[dreg:$0x2] =	wrdreg s24  }
0xb5: {  	[dreg:$0x3] =	wrdreg s17  }
0xb6: {  	[dreg:$0x4] =	wrdreg s16  }
0xb7: {  	[dreg:$0x5] =	wrdreg s18  }
0xb8: {  	[dreg:$0x6] =	wrdreg $0x9  }
0xb9: {  	_ =	task.clear_ibuf [dreg:s9], $0x7FFFF;
	_ =	strace $0x90000046  }
0xba: {  	s29 =	simm.s32 $0x9;
	_ =	strace $0x80000048  }
0xbb: {  	_ =	swait.ge [sflag:s29], $0x1  }
0xbc: {  	[sflag:s29] =	ssyncadd.s32 $0xFFFFFFFF  }
0xbd: {  	_ =	strace $0x90000048  }
0xbe: {  	_ =	sfence  }
0xbf: {  	s30 =	sld [smem:$0x0];
	_ =	sdelay $0x2  }
0xc0: {  	s31 =	sshll.u32 s1, $0xD;
	s1 =	sshrl.u32 s1, $0x2  }
0xc1: {  	s3 =	sand.u32 $0x4000, s31;
	s1 =	sadd.s32 s1, s30  }
0xc2: {  	s0 =	sor.u32 s3, s0;
	s1 =	sshll.u32 s1, $0x11  }
0xc3: {  	s0 =	sor.u32 s1, s0  }
0xc4: {  	s0 =	sadd.s32 $0x8F2B, s0  }
0xc5: {  	[sflag:s0] =	ssyncadd.remote.s32 $0x1  }
0xc6: {  	_ =	sfence.sel $0xFFFF  }
0xc7: {  	[dreg:$0x0] =	wrdreg $0xFFFFFFFF;
	(pc) =	sbr.abs _section_cstart, $3  }
0xc8: {  	[dreg:$0x1] =	wrdreg $0xFFFFFFFF  }
0xc9: {  	_ =	task.clear_ibuf [dreg:s9], $0x2FFFF;
	_ =	strace $0x9FFFFFFF  }
0xca: {  	(tm) =	ssettm $0x7FFFFFFF  }
0xcb: {  	_ =	shalt  }
tec
execute0_lowered:
.L_overlay_start_1:
0x0: {  	(tag) =	ssettag $0x1  }
0x1: {  	s3 =	stileid.u32  }
0x2: {  	p0 =	sgt.u32 s3, $0x7  }
.Ltmp0:
0x3: {  	s8 =	rddreg [dreg:$0x0];
	(pc) =	sbr.rel @p0 .LBB2_5-.Ltmp0, $4  }
0x4: {  	s0 =	rddreg [dreg:$0x1]  }
0x5: {  	s1 =	rddreg [dreg:$0x2];
	s2 =	simm.s32 $0x0  }
0x6: {  	[smem:$0x7FF] =	sst s2  }
0x7: {  	s13 =	rddreg [dreg:$0x3];
	_ =	strace $0x80000047  }
0x8: {  	s3 =	srdreg.scid  }
0x9: {  	s18 =	sadd.s32 $0x1E00, s8;
	s5 =	stileid.u32;
	s24 =	sadd.s32 $0x4A00, s8  }
0xa: {  	s20 =	simm.s32 $0x80;
	s21 =	simm.s32 $0x400;
	s28 =	simm.s32 $0x1980  }
0xb: {  	s29 =	simm.s32 $0x1B00;
	s30 =	simm.s32 $0x1;
	s31 =	simm.s32 $0x1C80  }
0xc: {  	s3 =	sand.u32 $0x1, s3;
	s4 =	sshll.u32 s5, $0x8;
	s14 =	sshrl.u32 s5, $0x2  }
0xd: {  	[dreg:$0x5] =	wrdreg s24;
	s5 =	sadd.s32 $0xC200, s8;
	s22 =	sshll.u32 s3, $0x7  }
0xe: {  	s4 =	sand.u32 $0x300, s4;
	s23 =	sshll.u32 s14, $0xA;
	s6 =	smul.u32 $0xC00, s14  }
0xf: {  	s25 =	smul.u32 $0xA000, s14;
	s26 =	ssub.s32 $0x2, s3;
	s17 =	sor.u32 s22, s4  }
0x10: {  	s4 =	sadd.s32 $0xEA00, s8;
	s3 =	sshrl.u32 s26, $0x1;
	s22 =	simm.s32 $0x2  }
0x11: {  	s7 =	sor.u32 s23, s17;
	s9 =	sor.u32 s6, s17;
	s6 =	sadd.s32 $0x9A00, s8  }
0x12: {  	s23 =	simm.s32 $0x2100;
	s7 =	sshrl.u32 s7, $0x3;
	s15 =	sshrl.u32 s9, $0x3  }
0x13: {  	s10 =	sadd.s32 s7, s8;
	s7 =	sadd.s32 $0x7200, s8;
	s19 =	sadd.s32 s15, s8  }
0x14: {  	s11 =	sadd.s32 s0, s15;
	s12 =	sadd.s32 s1, s15;
	s13 =	sadd.s32 s13, s15  }
0x15: {  	s0 =	sor.u32 s25, s17;
	s1 =	ssub.s32 s26, s3;
	s26 =	simm.s32 $0x180  }
0x16: {  	s8 =	sadd.s32 $0x4600, s10;
	s9 =	sadd.s32 $0x4800, s10;
	s10 =	sadd.s32 $0x11200, s10  }
0x17: {  	s14 =	sadd.s32 $0x11400, s19;
	s15 =	sadd.s32 $0x11800, s19;
	s16 =	sadd.s32 $0x11C00, s19  }
0x18: {  	s17 =	sadd.s32 $0x12000, s19;
	s0 =	sshrl.u32 s0, $0x3;
	s19 =	smax.u32 s1, $0x1  }
0x19: {  	v0 =	vimm.s32 $0xFFFFFFFF;
	v1 =	vimm.s32 $0x0;
	s1 =	simm.s32 $0x1F80;
	s18 =	sadd.s32 s18, s0;
	s0 =	simm.s32 $0x1E00  }
.LBB2_2:
0x1a: {  	s24 =	simm.s32 $0x0  }
0x1b: {  	[tilespmem:s24], [sflag:$0x2] =	stream.strided.gather [hbm4b:s18+s20], $0x1400, s21, s20, $0x38;
	[tilespmem:$0x2280] =	vst v63  }
0x1c: {  	_ =	swait.ge [sflag:s22], $0x1400  }
0x1d: {  	[sflag:s22] =	ssyncset.done $0x0  }
0x1e: {  	s3 =	simm.s32 $0x1400;
	[sflag:s22] =	ssyncadd.s32 $0xFFFFEC00  }
0x1f: {  	[tilespmem:s3], [sflag:$0x2] =	stream.linear.gather [hbm4b:s8+s24], $0x80, $0x38;
	[tilespmem:$0x2280] =	vst v63  }
0x20: {  	_ =	swait.ge [sflag:s22], $0x80  }
0x21: {  	[sflag:s22] =	ssyncset.done $0x0  }
0x22: {  	s25 =	simm.s32 $0x1480;
	[sflag:s22] =	ssyncadd.s32 $0xFFFFFF80  }
0x23: {  	[tilespmem:s25], [sflag:$0x2] =	stream.linear.gather [hbm4b:s9+s24], $0x80, $0x38;
	[tilespmem:$0x2280] =	vst v63  }
0x24: {  	_ =	swait.ge [sflag:s22], $0x80  }
0x25: {  	[sflag:s22] =	ssyncset.done $0x0  }
0x26: {  	s25 =	simm.s32 $0x1500;
	[sflag:s22] =	ssyncadd.s32 $0xFFFFFF80  }
0x27: {  	[tilespmem:s25], [sflag:$0x2] =	stream.linear.gather [hbm4b:s10+s24], $0x80, $0x38;
	[tilespmem:$0x2280] =	vst v63  }
0x28: {  	_ =	swait.ge [sflag:s22], $0x80  }
0x29: {  	[sflag:s22] =	ssyncset.done $0x0  }
0x2a: {  	[sflag:s22] =	ssyncadd.s32 $0xFFFFFF80  }
0x2b: {  	[tilespmem:$0x16A0] =	vst v0  }
0x2c: {  	[tilespmem:$0x18A0] =	vst v1  }
0x2d: {  	[tilespmem:$0x16B0] =	vst v0  }
0x2e: {  	[tilespmem:$0x18B0] =	vst v1  }
0x2f: {  	[tilespmem:$0x16C0] =	vst v0  }
0x30: {  	[tilespmem:$0x18C0] =	vst v1  }
0x31: {  	[tilespmem:$0x16D0] =	vst v0  }
0x32: {  	[tilespmem:$0x18D0] =	vst v1  }
0x33: {  	[tilespmem:$0x16E0] =	vst v0  }
0x34: {  	[tilespmem:$0x18E0] =	vst v1  }
0x35: {  	[tilespmem:$0x16F0] =	vst v0  }
0x36: {  	s25 =	simm.s32 $0x0;
	v3 =	vld [tilespmem:$0x1400];
	[tilespmem:$0x18F0] =	vst v1  }
0x37: {  	v7 =	vld [tilespmem:s25+$0x0];
	_ =	sdelay $0x4  }
0x38: {  	vm0 =	veq.s32 v7, v3  }
0x39: {  	v2 =	vsel vm0, $0x1, v1  }
0x3a: {  	(xrf0) =	vadd.scan.msk.s32 $0xffff, v2;
	_ =	sdelay $0x2  }
0x3b: {  	v4 =	vld [tilespmem:$0x1480];
	_ =	sdelay $0x1  }
0x3c: {  	v2 =	vsel vm0, $0xFFFFFFFF, v1  }
0x3d: {  	v2 =	vadd.s32 v2, v1;
	v5, _, _ =	vpop (xrf0)  }
0x3e: {  	v2 =	vadd.s32 v5, v2  }
0x3f: {  	vm1 =	vlt.s32 v2, v4  }
0x40: {  	vm2 =	vgt.s32 v7, v3;
	v6 =	vmpcnt.ones.xlane vm0;
	vm0 =	vmand vm0, vm1  }
0x41: {  	vm0 =	vmor vm2, vm0  }
0x42: {  	v8 =	vsel vm0, $0x1, v1  }
0x43: {  	(xrf0) =	vadd.scan.msk.s32 $0xffff, v8;
	_ =	sdelay $0x1  }
0x44: {  	v6 =	vadd.s32 v1, v6;
	v5 =	vlaneseq.u32;
	v2 =	vld [tilespmem:$0x1500];
	[tilespmem:s24+$0x1580] =	vst.msk vm0, v7  }
0x45: {  	s3 =	simm.s32 $0x10;
	s25 =	simm.s32 $0x80;
	v7 =	vmov v6;
	[tilespmem:s24+$0x1780] =	vst.msk vm0, v5  }
.LBB2_3:
0x46: {  	p0 =	sne.s32 s25, $0x4FC0;
	v8 =	vld [tilespmem:s3+$0x0];
	_ =	sdelay $0x1  }
0x47: {  	v9, _, _ =	vpop (xrf0)  }
0x48: {  	(v2sf) =	vpush v9, $0xF;
	_ =	sdelay $0x1  }
0x49: {  	vm0 =	veq.s32 v8, v3  }
0x4a: {  	v9 =	vsel vm0, $0x1, v1;
	v10 =	vmpcnt.ones.xlane vm0  }
0x4b: {  	(xrf0) =	vadd.scan.msk.s32 $0xffff, v9  }
0x4c: {  	v6 =	vadd.s32 v6, v10;
	_ =	sdelay $0x3  }
0x4d: {  	v9 =	vsel vm0, $0xFFFFFFFF, v1  }
0x4e: {  	v9 =	vadd.s32 v9, v7;
	v7 =	vmov v6;
	v10, _, _ =	vpop (xrf0)  }
0x4f: {  	v9 =	vadd.s32 v10, v9  }
0x50: {  	vm1 =	vlt.s32 v9, v4  }
0x51: {  	vm2 =	vgt.s32 v8, v3;
	vm0 =	vmand vm0, vm1  }
0x52: {  	vm0 =	vmor vm2, vm0  }
.Ltmp1:
0x53: {  	v9 =	vsel vm0, $0x1, v1;
	s3 =	spop (v2sf);
	(pc) =	sbr.rel @p0 .LBB2_3-.Ltmp1, $4  }
0x54: {  	(xrf0) =	vadd.scan.msk.s32 $0xffff, v9;
	s24 =	sadd.s32 s24, s3  }
0x55: {  	v5 =	vadd.s32 $0x10, v5;
	[tilespmem:s24+$0x1580] =	vst.msk vm0, v8  }
0x56: {  	[tilespmem:s24+$0x1780] =	vst.msk vm0, v5  }
0x57: {  	s3 =	sshra.s32 s25, $0x2;
	s25 =	sadd.s32 $0x40, s25  }
0x58: {  	_ =	sdelay $0x1  }
0x59: {  	v6 =	vld [tilespmem:s3+$0x0];
	v8, _, _ =	vpop (xrf0)  }
0x5a: {  	(v2sf) =	vpush v8, $0xF;
	_ =	sdelay $0x3  }
0x5b: {  	vm0 =	veq.s32 v6, v3  }
0x5c: {  	v39 =	vsel vm0, $0x1, v1  }
0x5d: {  	(xrf0) =	vadd.scan.msk.s32 $0xffff, v39;
	_ =	sdelay $0x4  }
0x5e: {  	v40 =	vsel vm0, $0xFFFFFFFF, v1  }
0x5f: {  	v7 =	vadd.s32 v40, v7;
	v41, _, _ =	vpop (xrf0)  }
0x60: {  	v7 =	vadd.s32 v41, v7  }
0x61: {  	vm1 =	vlt.s32 v7, v4  }
0x62: {  	vm2 =	vgt.s32 v6, v3;
	vm0 =	vmand vm0, vm1;
	s25 =	spop (v2sf)  }
0x63: {  	vm0 =	vmor vm2, vm0;
	s3 =	sadd.s32 s24, s25  }
0x64: {  	v3 =	vadd.s32 $0x10, v5;
	[tilespmem:s3+$0x1580] =	vst.msk vm0, v6  }
0x65: {  	[tilespmem:s3+$0x1780] =	vst.msk vm0, v3  }
0x66: {  	v3 =	vld [tilespmem:$0x1780]  }
0x67: {  	v42 =	vld [tilespmem:$0x1790]  }
0x68: {  	v43 =	vld [tilespmem:$0x17A0]  }
0x69: {  	v6 =	vld [tilespmem:$0x17B0]  }
0x6a: {  	v44 =	vld [tilespmem:$0x17C0]  }
0x6b: {  	v45 =	vld [tilespmem:$0x17D0];
	v3 =	vadd.s32 v2, v3  }
0x6c: {  	v9 =	vsel vm0, $0x1, v1;
	v46 =	vld [tilespmem:$0x17E0];
	[tilespmem:$0x1980] =	vst v3;
	v3 =	vadd.s32 v2, v42  }
0x6d: {  	(xrf0) =	vadd.scan.msk.s32 $0xffff, v9;
	v47 =	vld [tilespmem:$0x17F0];
	[tilespmem:$0x1990] =	vst v3;
	v3 =	vadd.s32 v2, v43  }
0x6e: {  	v48 =	vld [tilespmem:$0x1800];
	[tilespmem:$0x19A0] =	vst v3;
	v3 =	vadd.s32 v2, v6  }
0x6f: {  	v49 =	vld [tilespmem:$0x1810];
	[tilespmem:$0x19B0] =	vst v3;
	v3 =	vadd.s32 v2, v44  }
0x70: {  	v50 =	vld [tilespmem:$0x1820];
	[tilespmem:$0x19C0] =	vst v3;
	v3 =	vadd.s32 v2, v45  }
0x71: {  	v51 =	vld [tilespmem:$0x1830];
	[tilespmem:$0x19D0] =	vst v3;
	v3 =	vadd.s32 v2, v46  }
0x72: {  	v52 =	vld [tilespmem:$0x1840];
	[tilespmem:$0x19E0] =	vst v3;
	v3 =	vadd.s32 v2, v47  }
0x73: {  	v53 =	vld [tilespmem:$0x1850];
	v9, _, _ =	vpop (xrf0);
	[tilespmem:$0x19F0] =	vst v3;
	v3 =	vadd.s32 v2, v48  }
0x74: {  	v54 =	vld [tilespmem:$0x1860];
	(v2sf) =	vpush v9, $0xF;
	[tilespmem:$0x1A00] =	vst v3;
	v3 =	vadd.s32 v2, v49  }
0x75: {  	v55 =	vld [tilespmem:$0x1870];
	[tilespmem:$0x1A10] =	vst v3;
	v3 =	vadd.s32 v2, v50  }
0x76: {  	v56 =	vld [tilespmem:$0x1880];
	[tilespmem:$0x1A20] =	vst v3;
	v3 =	vadd.s32 v2, v51  }
0x77: {  	v57 =	vld [tilespmem:$0x1890];
	[tilespmem:$0x1A30] =	vst v3;
	v3 =	vadd.s32 v2, v52  }
0x78: {  	v58 =	vld [tilespmem:$0x18A0];
	[tilespmem:$0x1A40] =	vst v3;
	v3 =	vadd.s32 v2, v53  }
0x79: {  	v59 =	vld [tilespmem:$0x18B0];
	[tilespmem:$0x1A50] =	vst v3;
	v3 =	vadd.s32 v2, v54  }
0x7a: {  	v60 =	vld [tilespmem:$0x18C0];
	[tilespmem:$0x1A60] =	vst v3;
	v3 =	vadd.s32 v2, v55  }
0x7b: {  	v61 =	vld [tilespmem:$0x18D0];
	[tilespmem:$0x1A70] =	vst v3;
	v3 =	vadd.s32 v2, v56  }
0x7c: {  	v62 =	vld [tilespmem:$0x18E0];
	[tilespmem:$0x1A80] =	vst v3;
	v3 =	vadd.s32 v2, v57  }
0x7d: {  	v63 =	vld [tilespmem:$0x18F0];
	[tilespmem:$0x1A90] =	vst v3;
	v3 =	vadd.s32 v2, v58  }
0x7e: {  	[tilespmem:$0x1AA0] =	vst v3;
	v3 =	vadd.s32 v2, v59  }
0x7f: {  	[tilespmem:$0x1AB0] =	vst v3;
	v3 =	vadd.s32 v2, v60  }
0x80: {  	[tilespmem:$0x1AC0] =	vst v3;
	v3 =	vadd.s32 v2, v61  }
0x81: {  	[tilespmem:$0x1AD0] =	vst v3;
	v3 =	vadd.s32 v2, v62  }
0x82: {  	v2 =	vadd.s32 v2, v63;
	[tilespmem:$0x1AE0] =	vst v3  }
0x83: {  	s3 =	rddreg [dreg:$0x5];
	s25 =	spop (v2sf);
	[tilespmem:$0x1AF0] =	vst v2  }
0x84: {  	[tilespmem:s29], [sflag:$0x1] =	stream.indirect.gather [hbm4b:s3+s26], $0x1, s28, s26, $0xb8;
	[tilespmem:$0x2280] =	vst v63  }
0x85: {  	_ =	swait.ge [sflag:s30], $0x180  }
0x86: {  	[sflag:s30] =	ssyncset.done $0x0  }
0x87: {  	[sflag:s30] =	ssyncadd.s32 $0xFFFFFE80  }
0x88: {  	[tilespmem:s31], [sflag:$0x1] =	stream.indirect.gather [hbm4b:s4+s26], $0x1, s28, s26, $0xb8;
	[tilespmem:$0x2280] =	vst v63  }
0x89: {  	_ =	swait.ge [sflag:s30], $0x180  }
0x8a: {  	[sflag:s30] =	ssyncset.done $0x0  }
0x8b: {  	[sflag:s30] =	ssyncadd.s32 $0xFFFFFE80  }
0x8c: {  	[tilespmem:s0], [sflag:$0x1] =	stream.indirect.gather [hbm4b:s5+s26], $0x1, s28, s26, $0xb8;
	[tilespmem:$0x2280] =	vst v63  }
0x8d: {  	_ =	swait.ge [sflag:s30], $0x180  }
0x8e: {  	[sflag:s30] =	ssyncset.done $0x0  }
0x8f: {  	[sflag:s30] =	ssyncadd.s32 $0xFFFFFE80  }
0x90: {  	[tilespmem:s1], [sflag:$0x1] =	stream.indirect.gather [hbm4b:s6+s26], $0x1, s28, s26, $0xb8;
	[tilespmem:$0x2280] =	vst v63  }
0x91: {  	_ =	swait.ge [sflag:s30], $0x180  }
0x92: {  	[sflag:s30] =	ssyncset.done $0x0  }
0x93: {  	[sflag:s30] =	ssyncadd.s32 $0xFFFFFE80  }
0x94: {  	[tilespmem:s23], [sflag:$0x1] =	stream.indirect.gather [hbm4b:s7+s26], $0x1, s28, s26, $0xb8;
	[tilespmem:$0x2280] =	vst v63  }
0x95: {  	_ =	swait.ge [sflag:s30], $0x180  }
0x96: {  	[sflag:s30] =	ssyncset.done $0x0  }
0x97: {  	s24 =	simm.s32 $0x1580;
	[sflag:s30] =	ssyncadd.s32 $0xFFFFFE80  }
0x98: {  	[hbm4b:s11+s20] =	stream.strided.scatter [tilespmem:s24], [sflag:$0x2], $0x180, s21, s20, $0x38;
	[tilespmem:$0x2280] =	vst v63  }
0x99: {  	_ =	swait.ge [sflag:s22], $0x180  }
0x9a: {  	[sflag:s22] =	ssyncset.done $0x0  }
0x9b: {  	s25 =	simm.s32 $0x1780;
	[sflag:s22] =	ssyncadd.s32 $0xFFFFFE80  }
0x9c: {  	[hbm4b:s12+s20] =	stream.strided.scatter [tilespmem:s25], [sflag:$0x2], $0x180, s21, s20, $0x38;
	[tilespmem:$0x2280] =	vst v63  }
0x9d: {  	_ =	swait.ge [sflag:s22], $0x180  }
0x9e: {  	[sflag:s22] =	ssyncset.done $0x0  }
0x9f: {  	[sflag:s22] =	ssyncadd.s32 $0xFFFFFE80  }
0xa0: {  	[hbm4b:s13+s20] =	stream.strided.scatter [tilespmem:s29], [sflag:$0x2], $0x180, s21, s20, $0x38;
	[tilespmem:$0x2280] =	vst v63  }
0xa1: {  	_ =	swait.ge [sflag:s22], $0x180  }
0xa2: {  	[sflag:s22] =	ssyncset.done $0x0  }
0xa3: {  	[sflag:s22] =	ssyncadd.s32 $0xFFFFFE80  }
0xa4: {  	[hbm4b:s14+s20] =	stream.strided.scatter [tilespmem:s31], [sflag:$0x2], $0x180, s21, s20, $0x38;
	[tilespmem:$0x2280] =	vst v63  }
0xa5: {  	_ =	swait.ge [sflag:s22], $0x180  }
0xa6: {  	[sflag:s22] =	ssyncset.done $0x0  }
0xa7: {  	[sflag:s22] =	ssyncadd.s32 $0xFFFFFE80  }
0xa8: {  	[hbm4b:s15+s20] =	stream.strided.scatter [tilespmem:s0], [sflag:$0x2], $0x180, s21, s20, $0x38;
	[tilespmem:$0x2280] =	vst v63  }
0xa9: {  	_ =	swait.ge [sflag:s22], $0x180  }
0xaa: {  	[sflag:s22] =	ssyncset.done $0x0  }
0xab: {  	[sflag:s22] =	ssyncadd.s32 $0xFFFFFE80  }
0xac: {  	[hbm4b:s16+s20] =	stream.strided.scatter [tilespmem:s1], [sflag:$0x2], $0x180, s21, s20, $0x38;
	[tilespmem:$0x2280] =	vst v63  }
0xad: {  	s2 =	sadd.s32 $0x1, s2;
	_ =	swait.ge [sflag:s22], $0x180  }
0xae: {  	p0 =	sne.s32 s2, s19;
	[sflag:s22] =	ssyncset.done $0x0  }
.Ltmp2:
0xaf: {  	[sflag:s22] =	ssyncadd.s32 $0xFFFFFE80;
	(pc) =	sbr.rel @p0 .LBB2_2-.Ltmp2, $4  }
0xb0: {  	[hbm4b:s17+s20] =	stream.strided.scatter [tilespmem:s23], [sflag:$0x2], $0x180, s21, s20, $0x38;
	[tilespmem:$0x2280] =	vst v63  }
0xb1: {  	_ =	swait.ge [sflag:s22], $0x180  }
0xb2: {  	[sflag:s22] =	ssyncset.done $0x0  }
0xb3: {  	[sflag:s22] =	ssyncadd.s32 $0xFFFFFE80  }
.LBB2_5:
0xb4: {  	_ =	sfence.sel $0x180000  }
0xb5: {  	[bflag:$0x0] =	sbarrier.arrive $0xFFFF  }
0xb6: {  	_ =	strace $0x90000047  }
0xb7: {  	s0 =	stileid.u32;
	[bflag:$0x2] =	sbarrier.arrive $0xFFFF  }
0xb8: {  	p0 =	sne.s32 s0, $0x0;
	s0 =	rddreg [dreg:$0x4]  }
0xb9: {  	s0 =	sadd.s32 @!p0 $0x100000, s0  }
0xba: {  	[sflag:s0] =	ssyncadd.tile.s32 @!p0 $0x1;
	_ =	shalt  }
.Lfunc_end2:
_tile_overlayer_lowered:
.L_overlay_start_2:
0xbb: {  	(tag) =	ssettag $0x2  }
0xbc: {  	s0 =	rddreg [dreg:$0x0];
	s2 =	stileid.u32  }
0xbd: {  	s1 =	rddreg [dreg:$0x1];
	p0 =	sne.s32 s2, $0x0  }
0xbe: {  	s3 =	rddreg [dreg:$0x2];
	[bflag:$0x3] =	sbarrier.arrive $0xFFFF;
	s2 =	simm.s32 @!p0 $0x1C02  }
0xbf: {  	[timem:s3], [sflag:s2] =	dma.local @!p0 [hbm:s0], s1  }
0xc0: {  	s0 =	simm.s32 @!p0 $0x2  }
0xc1: {  	_ =	swait.ge @!p0 [sflag:s0], s1  }
0xc2: {  	s1 =	ssub.s32 @!p0 $0x0, s1;
	[sflag:s0] =	ssyncset.done @!p0 $0x0  }
0xc3: {  	[sflag:s0] =	ssyncadd.s32 @!p0 s1  }
0xc4: {  	[bflag:$0x3] =	sbarrier.arrive $0xFFFF  }
0xc5: {  	_ =	shalt  }

</sc_bundles>
